<compile_context>
chip_gen: v7x
topology: tpu7x:2x2x1
jax: 0.10.2.dev20260603
libtpu: 0.0.44.dev20260713+nightly
codegen_flags: <defaults>
</compile_context>

<pallas_src>
import jax
import jax.numpy as jnp
from jax import lax
from jax.experimental import pallas as pl
from jax.experimental.pallas import tpu as pltpu
from jax.experimental.pallas import tpu_sc as plsc

_NC = 2
_NS = 16
_NW = _NC * _NS
_L = 16

_C2 = 12800


def _sigmoid_chunk(vb, n):
    def body(i, c):
        b = i * (4 * _L)
        for j in range(4):
            s = pl.ds(b + j * _L, _L)
            x = vb[s]
            vb[s] = 1.0 / (1.0 + jnp.exp(-x))
        return c

    lax.fori_loop(0, n // (4 * _L), body, 0)


def _sc_body(idx_hbm, w_hbm, out_hbm, w_sh,
             idx_a, idx_b, vals_a, vals_b, vals_e,
             sem_a, sem_b, sem_c, sem_d, sem_e):
    cid = lax.axis_index("c")
    sid = lax.axis_index("s")
    wid = sid * _NC + cid

    v = w_hbm.shape[0]
    n_pieces = v // _C2
    rem = v - n_pieces * _C2
    n_uniform = n_pieces // _NS
    n_extra = n_pieces - n_uniform * _NS
    stage_bufs = ((vals_a, sem_a, sem_c), (vals_b, sem_b, sem_d))

    def stage_in(k):
        vb, _, si = stage_bufs[k % 2]
        o = (k * _NS + sid) * _C2
        return pltpu.async_copy(w_hbm.at[pl.ds(o, _C2)], vb, si)

    incps = {0: stage_in(0), 1: stage_in(1)}

    o_x = (n_uniform * _NS + sid) * _C2
    o_r = n_pieces * _C2
    if n_extra > 0:
        @pl.when(sid < n_extra)
        def _():
            pltpu.async_copy(w_hbm.at[pl.ds(o_x, _C2)], vals_e, sem_e)
    if rem > 0:
        @pl.when(sid == _NS - 1)
        def _():
            pltpu.async_copy(w_hbm.at[pl.ds(o_r, rem)],
                             vals_e.at[pl.ds(0, rem)], sem_e)

    outcps = []
    for k in range(n_uniform):
        vb, so, _ = stage_bufs[k % 2]
        incps[k].wait()
        o = (k * _NS + sid) * _C2
        outcps.append(pltpu.async_copy(vb, w_sh.at[pl.ds(o, _C2)], so))
        if k + 2 < n_uniform:
            outcps[k].wait()
            incps[k + 2] = stage_in(k + 2)
    per_w = idx_hbm.shape[0] // _NW
    base = wid * per_w
    pre0 = pltpu.async_copy(idx_hbm.at[pl.ds(base, _C2)], idx_a, sem_c)

    for cp in outcps[-2:]:
        cp.wait()

    if n_extra > 0:
        @pl.when(sid < n_extra)
        def _():
            pltpu.make_async_copy(w_hbm.at[pl.ds(o_x, _C2)], vals_e,
                                  sem_e).wait()
            pltpu.async_copy(vals_e, w_sh.at[pl.ds(o_x, _C2)], sem_e).wait()

    if rem > 0:
        @pl.when(sid == _NS - 1)
        def _():
            pltpu.make_async_copy(w_hbm.at[pl.ds(o_r, rem)],
                                  vals_e.at[pl.ds(0, rem)], sem_e).wait()
            pltpu.async_copy(vals_e.at[pl.ds(0, rem)],
                             w_sh.at[pl.ds(o_r, rem)], sem_e).wait()
    plsc.subcore_barrier()

    nch = per_w // _C2
    bufs = ((idx_a, vals_a, sem_a), (idx_b, vals_b, sem_b))

    pre0.wait()
    pending = (pltpu.async_copy(w_sh.at[idx_a], vals_a, sem_a), base, vals_a)
    for g in range(1, nch):
        ib, vb, sm = bufs[g % 2]
        off = base + g * _C2
        pltpu.sync_copy(idx_hbm.at[pl.ds(off, _C2)], ib)
        cp = pltpu.async_copy(w_sh.at[ib], vb, sm)
        pcp, poff, pvb = pending
        pcp.wait()
        _sigmoid_chunk(pvb, _C2)
        pltpu.sync_copy(pvb, out_hbm.at[pl.ds(poff, _C2)])
        pending = (cp, off, vb)
    pcp, poff, pvb = pending
    pcp.wait()
    _sigmoid_chunk(pvb, _C2)
    pltpu.sync_copy(pvb, out_hbm.at[pl.ds(poff, _C2)])


def kernel(idx, weight):
    n = idx.shape[0]
    assert n % (_NW * _C2) == 0
    assert weight.shape[0] % 8 == 0
    flat_idx = idx.reshape(-1)

    run = pl.kernel(
        _sc_body,
        out_type=jax.ShapeDtypeStruct((n,), jnp.float32),
        mesh=plsc.VectorSubcoreMesh(core_axis_name="c", subcore_axis_name="s"),
        scratch_types=[
            pltpu.VMEM_SHARED((weight.shape[0],), jnp.float32),
            pltpu.VMEM((_C2,), jnp.int32),
            pltpu.VMEM((_C2,), jnp.int32),
            pltpu.VMEM((_C2,), jnp.float32),
            pltpu.VMEM((_C2,), jnp.float32),
            pltpu.VMEM((_C2,), jnp.float32),
            pltpu.SemaphoreType.DMA,
            pltpu.SemaphoreType.DMA,
            pltpu.SemaphoreType.DMA,
            pltpu.SemaphoreType.DMA,
            pltpu.SemaphoreType.DMA,
        ],
    )
    out = run(flat_idx, weight)
    return out.reshape(idx.shape)

# --- scband reference (transcript-rebuilt; emitter-appended) ---
"""Pipeline reference for scband-weight-embedding-20942260535966 (READ-ONLY COPY).

The authoritative reference and input builder live on the scoring server;
editing this copy changes nothing except your own understanding.
"""

import jax, jax.numpy as jnp
import numpy as np

NUM_EDGES = 1000000
NUM_IDX = 3276800


def setup_inputs(seed: int = 0) -> dict:
    key = jax.random.key(seed)
    k1, k2 = jax.random.split(key)
    idx = jax.random.randint(k1, (NUM_IDX, 1), 0, NUM_EDGES, dtype=jnp.int32)
    # learned parameter: per-edge weight vector, initialized uniform like torch.rand
    weight = jax.random.uniform(k2, (NUM_EDGES,), dtype=jnp.float32)
    return {"idx": idx, "weight": weight}


def reference(idx, weight):
    # res = self.weight[idx]  (gather); num_fields is None so no MLP branch
    res = jnp.take(weight, idx.reshape(-1), axis=0).reshape(idx.shape)
    return jax.nn.sigmoid(res)

if __name__ == "__main__":
    import jax
    _d = setup_inputs()
    print(jax.jit(kernel)(*tuple(_d.values())))

</pallas_src>

<mosaic_0001>
#map = affine_map<(d0, d1) -> (0)>
module attributes {stable_mosaic.version = 14 : i64} {
  func.func @_sc_body(%arg0: i32, %arg1: i32, %arg2: memref<3276800xi32, #tpu.memory_space<hbm>>, %arg3: memref<1000000xf32, #tpu.memory_space<hbm>>, %arg4: memref<3276800xf32, #tpu.memory_space<hbm>>, %arg5: memref<1000000xf32, #tpu.memory_space<vmem_shared>>, %arg6: memref<12800xi32, #tpu.memory_space<vmem>>, %arg7: memref<12800xi32, #tpu.memory_space<vmem>>, %arg8: memref<12800xf32, #tpu.memory_space<vmem>>, %arg9: memref<12800xf32, #tpu.memory_space<vmem>>, %arg10: memref<12800xf32, #tpu.memory_space<vmem>>, %arg11: memref<!tpu.dma_semaphore, #tpu.memory_space<semaphore_mem>>, %arg12: memref<!tpu.dma_semaphore, #tpu.memory_space<semaphore_mem>>, %arg13: memref<!tpu.dma_semaphore, #tpu.memory_space<semaphore_mem>>, %arg14: memref<!tpu.dma_semaphore, #tpu.memory_space<semaphore_mem>>, %arg15: memref<!tpu.dma_semaphore, #tpu.memory_space<semaphore_mem>>) attributes {dimension_semantics = [#tpu.dimension_semantics<core_parallel>, #tpu.dimension_semantics<subcore_parallel>], iteration_bounds = array<i64: 2, 16>, scalar_prefetch = 0 : i64, scratch_operands = 11 : i64, tpu.core_type = #tpu.core_type<sc_vector_subcore>, window_params = [{transform_indices = #map}, {transform_indices = #map}, {transform_indices = #map}]} {
    %mul3A = arith.constant 2 : i32
    %mul3A_0 = arith.muli %arg1, %mul3A : i32
    %add3A = arith.addi %mul3A_0, %arg0 : i32
    %add3A_1 = arith.constant 0 : i32
    %add3A_2 = arith.addi %add3A_1, %arg1 : i32
    %mul3A_3 = arith.constant 12800 : i32
    %mul3A_4 = arith.muli %add3A_2, %mul3A_3 : i32
    %dma_start3A = tpu.memref_slice %arg3[%mul3A_4] : memref<1000000xf32, #tpu.memory_space<hbm>> -> memref<12800xf32, #tpu.memory_space<hbm>>
    %dma_start3A_5 = tpu.memref_slice %arg3[%mul3A_4] : memref<1000000xf32, #tpu.memory_space<hbm>> -> memref<12800xf32, #tpu.memory_space<hbm>>
    tpu.enqueue_dma source(%dma_start3A_5 : memref<12800xf32, #tpu.memory_space<hbm>>) target(%arg8 : memref<12800xf32, #tpu.memory_space<vmem>>) target_semaphore(%arg13 : memref<!tpu.dma_semaphore, #tpu.memory_space<semaphore_mem>>)
    %add3A_6 = arith.constant 16 : i32
    %add3A_7 = arith.addi %add3A_6, %arg1 : i32
    %mul3A_8 = arith.constant 12800 : i32
    %mul3A_9 = arith.muli %add3A_7, %mul3A_8 : i32
    %dma_start3A_10 = tpu.memref_slice %arg3[%mul3A_9] : memref<1000000xf32, #tpu.memory_space<hbm>> -> memref<12800xf32, #tpu.memory_space<hbm>>
    %dma_start3A_11 = tpu.memref_slice %arg3[%mul3A_9] : memref<1000000xf32, #tpu.memory_space<hbm>> -> memref<12800xf32, #tpu.memory_space<hbm>>
    tpu.enqueue_dma source(%dma_start3A_11 : memref<12800xf32, #tpu.memory_space<hbm>>) target(%arg9 : memref<12800xf32, #tpu.memory_space<vmem>>) target_semaphore(%arg14 : memref<!tpu.dma_semaphore, #tpu.memory_space<semaphore_mem>>)
    %add3A_12 = arith.constant 64 : i32
    %add3A_13 = arith.addi %add3A_12, %arg1 : i32
    %mul3A_14 = arith.constant 12800 : i32
    %mul3A_15 = arith.muli %add3A_13, %mul3A_14 : i32
    %lt3A = arith.constant 14 : i32
    %lt3A_16 = arith.cmpi slt, %arg1, %lt3A : i32
    %convert_element_type3A = arith.extui %lt3A_16 : i1 to i32
    %cond3A = arith.constant 0 : i32
    %cond3A_17 = arith.cmpi ne, %convert_element_type3A, %cond3A : i32
    scf.if %cond3A_17 {
      %dma_start3A_182 = tpu.memref_slice %arg3[%mul3A_15] : memref<1000000xf32, #tpu.memory_space<hbm>> -> memref<12800xf32, #tpu.memory_space<hbm>>
      %dma_start3A_183 = tpu.memref_slice %arg3[%mul3A_15] : memref<1000000xf32, #tpu.memory_space<hbm>> -> memref<12800xf32, #tpu.memory_space<hbm>>
      tpu.enqueue_dma source(%dma_start3A_183 : memref<12800xf32, #tpu.memory_space<hbm>>) target(%arg10 : memref<12800xf32, #tpu.memory_space<vmem>>) target_semaphore(%arg15 : memref<!tpu.dma_semaphore, #tpu.memory_space<semaphore_mem>>)
    } else {
    }
    %eq3A = arith.constant 15 : i32
    %eq3A_18 = arith.cmpi eq, %arg1, %eq3A : i32
    %convert_element_type3A_19 = arith.extui %eq3A_18 : i1 to i32
    %cond3A_20 = arith.constant 0 : i32
    %cond3A_21 = arith.cmpi ne, %convert_element_type3A_19, %cond3A_20 : i32
    scf.if %cond3A_21 {
      %dma_start3A_182 = arith.constant 0 : i32
      %dma_start3A_183 = tpu.memref_slice %arg10[%dma_start3A_182] : memref<12800xf32, #tpu.memory_space<vmem>> -> memref<1600xf32, #tpu.memory_space<vmem>>
      %dma_start3A_184 = arith.constant 998400 : i32
      %dma_start3A_185 = tpu.memref_slice %arg3[%dma_start3A_184] : memref<1000000xf32, #tpu.memory_space<hbm>> -> memref<1600xf32, #tpu.memory_space<hbm>>
      %dma_start3A_186 = arith.constant 0 : i32
      %dma_start3A_187 = tpu.memref_slice %arg10[%dma_start3A_186] : memref<12800xf32, #tpu.memory_space<vmem>> -> memref<1600xf32, #tpu.memory_space<vmem>>
      %dma_start3A_188 = arith.constant 998400 : i32
      %dma_start3A_189 = tpu.memref_slice %arg3[%dma_start3A_188] : memref<1000000xf32, #tpu.memory_space<hbm>> -> memref<1600xf32, #tpu.memory_space<hbm>>
      tpu.enqueue_dma source(%dma_start3A_189 : memref<1600xf32, #tpu.memory_space<hbm>>) target(%dma_start3A_187 : memref<1600xf32, #tpu.memory_space<vmem>>) target_semaphore(%arg15 : memref<!tpu.dma_semaphore, #tpu.memory_space<semaphore_mem>>)
    } else {
    }
    %dma_wait3A = tpu.memref_slice %arg3[%mul3A_4] : memref<1000000xf32, #tpu.memory_space<hbm>> -> memref<12800xf32, #tpu.memory_space<hbm>>
    %dma_wait3A_22 = tpu.memref_slice %arg3[%mul3A_4] : memref<1000000xf32, #tpu.memory_space<hbm>> -> memref<12800xf32, #tpu.memory_space<hbm>>
    tpu.wait_dma2 semaphore(%arg13 : memref<!tpu.dma_semaphore, #tpu.memory_space<semaphore_mem>>) src(%dma_wait3A_22 : memref<12800xf32, #tpu.memory_space<hbm>>) dst(%arg8 : memref<12800xf32, #tpu.memory_space<vmem>>)
    %add3A_23 = arith.constant 0 : i32
    %add3A_24 = arith.addi %add3A_23, %arg1 : i32
    %mul3A_25 = arith.constant 12800 : i32
    %mul3A_26 = arith.muli %add3A_24, %mul3A_25 : i32
    %dma_start3A_27 = tpu.memref_slice %arg5[%mul3A_26] : memref<1000000xf32, #tpu.memory_space<vmem_shared>> -> memref<12800xf32, #tpu.memory_space<vmem_shared>>
    %dma_start3A_28 = tpu.memref_slice %arg5[%mul3A_26] : memref<1000000xf32, #tpu.memory_space<vmem_shared>> -> memref<12800xf32, #tpu.memory_space<vmem_shared>>
    tpu.enqueue_dma source(%arg8 : memref<12800xf32, #tpu.memory_space<vmem>>) target(%dma_start3A_28 : memref<12800xf32, #tpu.memory_space<vmem_shared>>) target_semaphore(%arg11 : memref<!tpu.dma_semaphore, #tpu.memory_space<semaphore_mem>>)
    %dma_wait3A_29 = tpu.memref_slice %arg5[%mul3A_26] : memref<1000000xf32, #tpu.memory_space<vmem_shared>> -> memref<12800xf32, #tpu.memory_space<vmem_shared>>
    %dma_wait3A_30 = tpu.memref_slice %arg5[%mul3A_26] : memref<1000000xf32, #tpu.memory_space<vmem_shared>> -> memref<12800xf32, #tpu.memory_space<vmem_shared>>
    tpu.wait_dma2 semaphore(%arg11 : memref<!tpu.dma_semaphore, #tpu.memory_space<semaphore_mem>>) src(%arg8 : memref<12800xf32, #tpu.memory_space<vmem>>) dst(%dma_wait3A_30 : memref<12800xf32, #tpu.memory_space<vmem_shared>>)
    %add3A_31 = arith.constant 32 : i32
    %add3A_32 = arith.addi %add3A_31, %arg1 : i32
    %mul3A_33 = arith.constant 12800 : i32
    %mul3A_34 = arith.muli %add3A_32, %mul3A_33 : i32
    %dma_start3A_35 = tpu.memref_slice %arg3[%mul3A_34] : memref<1000000xf32, #tpu.memory_space<hbm>> -> memref<12800xf32, #tpu.memory_space<hbm>>
    %dma_start3A_36 = tpu.memref_slice %arg3[%mul3A_34] : memref<1000000xf32, #tpu.memory_space<hbm>> -> memref<12800xf32, #tpu.memory_space<hbm>>
    tpu.enqueue_dma source(%dma_start3A_36 : memref<12800xf32, #tpu.memory_space<hbm>>) target(%arg8 : memref<12800xf32, #tpu.memory_space<vmem>>) target_semaphore(%arg13 : memref<!tpu.dma_semaphore, #tpu.memory_space<semaphore_mem>>)
    %dma_wait3A_37 = tpu.memref_slice %arg3[%mul3A_9] : memref<1000000xf32, #tpu.memory_space<hbm>> -> memref<12800xf32, #tpu.memory_space<hbm>>
    %dma_wait3A_38 = tpu.memref_slice %arg3[%mul3A_9] : memref<1000000xf32, #tpu.memory_space<hbm>> -> memref<12800xf32, #tpu.memory_space<hbm>>
    tpu.wait_dma2 semaphore(%arg14 : memref<!tpu.dma_semaphore, #tpu.memory_space<semaphore_mem>>) src(%dma_wait3A_38 : memref<12800xf32, #tpu.memory_space<hbm>>) dst(%arg9 : memref<12800xf32, #tpu.memory_space<vmem>>)
    %add3A_39 = arith.constant 16 : i32
    %add3A_40 = arith.addi %add3A_39, %arg1 : i32
    %mul3A_41 = arith.constant 12800 : i32
    %mul3A_42 = arith.muli %add3A_40, %mul3A_41 : i32
    %dma_start3A_43 = tpu.memref_slice %arg5[%mul3A_42] : memref<1000000xf32, #tpu.memory_space<vmem_shared>> -> memref<12800xf32, #tpu.memory_space<vmem_shared>>
    %dma_start3A_44 = tpu.memref_slice %arg5[%mul3A_42] : memref<1000000xf32, #tpu.memory_space<vmem_shared>> -> memref<12800xf32, #tpu.memory_space<vmem_shared>>
    tpu.enqueue_dma source(%arg9 : memref<12800xf32, #tpu.memory_space<vmem>>) target(%dma_start3A_44 : memref<12800xf32, #tpu.memory_space<vmem_shared>>) target_semaphore(%arg12 : memref<!tpu.dma_semaphore, #tpu.memory_space<semaphore_mem>>)
    %dma_wait3A_45 = tpu.memref_slice %arg5[%mul3A_42] : memref<1000000xf32, #tpu.memory_space<vmem_shared>> -> memref<12800xf32, #tpu.memory_space<vmem_shared>>
    %dma_wait3A_46 = tpu.memref_slice %arg5[%mul3A_42] : memref<1000000xf32, #tpu.memory_space<vmem_shared>> -> memref<12800xf32, #tpu.memory_space<vmem_shared>>
    tpu.wait_dma2 semaphore(%arg12 : memref<!tpu.dma_semaphore, #tpu.memory_space<semaphore_mem>>) src(%arg9 : memref<12800xf32, #tpu.memory_space<vmem>>) dst(%dma_wait3A_46 : memref<12800xf32, #tpu.memory_space<vmem_shared>>)
    %add3A_47 = arith.constant 48 : i32
    %add3A_48 = arith.addi %add3A_47, %arg1 : i32
    %mul3A_49 = arith.constant 12800 : i32
    %mul3A_50 = arith.muli %add3A_48, %mul3A_49 : i32
    %dma_start3A_51 = tpu.memref_slice %arg3[%mul3A_50] : memref<1000000xf32, #tpu.memory_space<hbm>> -> memref<12800xf32, #tpu.memory_space<hbm>>
    %dma_start3A_52 = tpu.memref_slice %arg3[%mul3A_50] : memref<1000000xf32, #tpu.memory_space<hbm>> -> memref<12800xf32, #tpu.memory_space<hbm>>
    tpu.enqueue_dma source(%dma_start3A_52 : memref<12800xf32, #tpu.memory_space<hbm>>) target(%arg9 : memref<12800xf32, #tpu.memory_space<vmem>>) target_semaphore(%arg14 : memref<!tpu.dma_semaphore, #tpu.memory_space<semaphore_mem>>)
    %dma_wait3A_53 = tpu.memref_slice %arg3[%mul3A_34] : memref<1000000xf32, #tpu.memory_space<hbm>> -> memref<12800xf32, #tpu.memory_space<hbm>>
    %dma_wait3A_54 = tpu.memref_slice %arg3[%mul3A_34] : memref<1000000xf32, #tpu.memory_space<hbm>> -> memref<12800xf32, #tpu.memory_space<hbm>>
    tpu.wait_dma2 semaphore(%arg13 : memref<!tpu.dma_semaphore, #tpu.memory_space<semaphore_mem>>) src(%dma_wait3A_54 : memref<12800xf32, #tpu.memory_space<hbm>>) dst(%arg8 : memref<12800xf32, #tpu.memory_space<vmem>>)
    %add3A_55 = arith.constant 32 : i32
    %add3A_56 = arith.addi %add3A_55, %arg1 : i32
    %mul3A_57 = arith.constant 12800 : i32
    %mul3A_58 = arith.muli %add3A_56, %mul3A_57 : i32
    %dma_start3A_59 = tpu.memref_slice %arg5[%mul3A_58] : memref<1000000xf32, #tpu.memory_space<vmem_shared>> -> memref<12800xf32, #tpu.memory_space<vmem_shared>>
    %dma_start3A_60 = tpu.memref_slice %arg5[%mul3A_58] : memref<1000000xf32, #tpu.memory_space<vmem_shared>> -> memref<12800xf32, #tpu.memory_space<vmem_shared>>
    tpu.enqueue_dma source(%arg8 : memref<12800xf32, #tpu.memory_space<vmem>>) target(%dma_start3A_60 : memref<12800xf32, #tpu.memory_space<vmem_shared>>) target_semaphore(%arg11 : memref<!tpu.dma_semaphore, #tpu.memory_space<semaphore_mem>>)
    %dma_wait3A_61 = tpu.memref_slice %arg3[%mul3A_50] : memref<1000000xf32, #tpu.memory_space<hbm>> -> memref<12800xf32, #tpu.memory_space<hbm>>
    %dma_wait3A_62 = tpu.memref_slice %arg3[%mul3A_50] : memref<1000000xf32, #tpu.memory_space<hbm>> -> memref<12800xf32, #tpu.memory_space<hbm>>
    tpu.wait_dma2 semaphore(%arg14 : memref<!tpu.dma_semaphore, #tpu.memory_space<semaphore_mem>>) src(%dma_wait3A_62 : memref<12800xf32, #tpu.memory_space<hbm>>) dst(%arg9 : memref<12800xf32, #tpu.memory_space<vmem>>)
    %add3A_63 = arith.constant 48 : i32
    %add3A_64 = arith.addi %add3A_63, %arg1 : i32
    %mul3A_65 = arith.constant 12800 : i32
    %mul3A_66 = arith.muli %add3A_64, %mul3A_65 : i32
    %dma_start3A_67 = tpu.memref_slice %arg5[%mul3A_66] : memref<1000000xf32, #tpu.memory_space<vmem_shared>> -> memref<12800xf32, #tpu.memory_space<vmem_shared>>
    %dma_start3A_68 = tpu.memref_slice %arg5[%mul3A_66] : memref<1000000xf32, #tpu.memory_space<vmem_shared>> -> memref<12800xf32, #tpu.memory_space<vmem_shared>>
    tpu.enqueue_dma source(%arg9 : memref<12800xf32, #tpu.memory_space<vmem>>) target(%dma_start3A_68 : memref<12800xf32, #tpu.memory_space<vmem_shared>>) target_semaphore(%arg12 : memref<!tpu.dma_semaphore, #tpu.memory_space<semaphore_mem>>)
    %mul3A_69 = arith.constant 102400 : i32
    %mul3A_70 = arith.muli %add3A, %mul3A_69 : i32
    %dma_start3A_71 = tpu.memref_slice %arg2[%mul3A_70] : memref<3276800xi32, #tpu.memory_space<hbm>> -> memref<12800xi32, #tpu.memory_space<hbm>>
    %dma_start3A_72 = tpu.memref_slice %arg2[%mul3A_70] : memref<3276800xi32, #tpu.memory_space<hbm>> -> memref<12800xi32, #tpu.memory_space<hbm>>
    tpu.enqueue_dma source(%dma_start3A_72 : memref<12800xi32, #tpu.memory_space<hbm>>) target(%arg6 : memref<12800xi32, #tpu.memory_space<vmem>>) target_semaphore(%arg13 : memref<!tpu.dma_semaphore, #tpu.memory_space<semaphore_mem>>)
    %dma_wait3A_73 = tpu.memref_slice %arg5[%mul3A_58] : memref<1000000xf32, #tpu.memory_space<vmem_shared>> -> memref<12800xf32, #tpu.memory_space<vmem_shared>>
    %dma_wait3A_74 = tpu.memref_slice %arg5[%mul3A_58] : memref<1000000xf32, #tpu.memory_space<vmem_shared>> -> memref<12800xf32, #tpu.memory_space<vmem_shared>>
    tpu.wait_dma2 semaphore(%arg11 : memref<!tpu.dma_semaphore, #tpu.memory_space<semaphore_mem>>) src(%arg8 : memref<12800xf32, #tpu.memory_space<vmem>>) dst(%dma_wait3A_74 : memref<12800xf32, #tpu.memory_space<vmem_shared>>)
    %dma_wait3A_75 = tpu.memref_slice %arg5[%mul3A_66] : memref<1000000xf32, #tpu.memory_space<vmem_shared>> -> memref<12800xf32, #tpu.memory_space<vmem_shared>>
    %dma_wait3A_76 = tpu.memref_slice %arg5[%mul3A_66] : memref<1000000xf32, #tpu.memory_space<vmem_shared>> -> memref<12800xf32, #tpu.memory_space<vmem_shared>>
    tpu.wait_dma2 semaphore(%arg12 : memref<!tpu.dma_semaphore, #tpu.memory_space<semaphore_mem>>) src(%arg9 : memref<12800xf32, #tpu.memory_space<vmem>>) dst(%dma_wait3A_76 : memref<12800xf32, #tpu.memory_space<vmem_shared>>)
    %lt3A_77 = arith.constant 14 : i32
    %lt3A_78 = arith.cmpi slt, %arg1, %lt3A_77 : i32
    %convert_element_type3A_79 = arith.extui %lt3A_78 : i1 to i32
    %cond3A_80 = arith.constant 0 : i32
    %cond3A_81 = arith.cmpi ne, %convert_element_type3A_79, %cond3A_80 : i32
    scf.if %cond3A_81 {
      %dma_wait3A_182 = tpu.memref_slice %arg3[%mul3A_15] : memref<1000000xf32, #tpu.memory_space<hbm>> -> memref<12800xf32, #tpu.memory_space<hbm>>
      %dma_wait3A_183 = tpu.memref_slice %arg3[%mul3A_15] : memref<1000000xf32, #tpu.memory_space<hbm>> -> memref<12800xf32, #tpu.memory_space<hbm>>
      tpu.wait_dma2 semaphore(%arg15 : memref<!tpu.dma_semaphore, #tpu.memory_space<semaphore_mem>>) src(%dma_wait3A_183 : memref<12800xf32, #tpu.memory_space<hbm>>) dst(%arg10 : memref<12800xf32, #tpu.memory_space<vmem>>)
      %dma_start3A_184 = tpu.memref_slice %arg5[%mul3A_15] : memref<1000000xf32, #tpu.memory_space<vmem_shared>> -> memref<12800xf32, #tpu.memory_space<vmem_shared>>
      %dma_start3A_185 = tpu.memref_slice %arg5[%mul3A_15] : memref<1000000xf32, #tpu.memory_space<vmem_shared>> -> memref<12800xf32, #tpu.memory_space<vmem_shared>>
      tpu.enqueue_dma source(%arg10 : memref<12800xf32, #tpu.memory_space<vmem>>) target(%dma_start3A_185 : memref<12800xf32, #tpu.memory_space<vmem_shared>>) target_semaphore(%arg15 : memref<!tpu.dma_semaphore, #tpu.memory_space<semaphore_mem>>)
      %dma_wait3A_186 = tpu.memref_slice %arg5[%mul3A_15] : memref<1000000xf32, #tpu.memory_space<vmem_shared>> -> memref<12800xf32, #tpu.memory_space<vmem_shared>>
      %dma_wait3A_187 = tpu.memref_slice %arg5[%mul3A_15] : memref<1000000xf32, #tpu.memory_space<vmem_shared>> -> memref<12800xf32, #tpu.memory_space<vmem_shared>>
      tpu.wait_dma2 semaphore(%arg15 : memref<!tpu.dma_semaphore, #tpu.memory_space<semaphore_mem>>) src(%arg10 : memref<12800xf32, #tpu.memory_space<vmem>>) dst(%dma_wait3A_187 : memref<12800xf32, #tpu.memory_space<vmem_shared>>)
    } else {
    }
    %eq3A_82 = arith.constant 15 : i32
    %eq3A_83 = arith.cmpi eq, %arg1, %eq3A_82 : i32
    %convert_element_type3A_84 = arith.extui %eq3A_83 : i1 to i32
    %cond3A_85 = arith.constant 0 : i32
    %cond3A_86 = arith.cmpi ne, %convert_element_type3A_84, %cond3A_85 : i32
    scf.if %cond3A_86 {
      %dma_wait3A_182 = arith.constant 0 : i32
      %dma_wait3A_183 = tpu.memref_slice %arg10[%dma_wait3A_182] : memref<12800xf32, #tpu.memory_space<vmem>> -> memref<1600xf32, #tpu.memory_space<vmem>>
      %dma_wait3A_184 = arith.constant 998400 : i32
      %dma_wait3A_185 = tpu.memref_slice %arg3[%dma_wait3A_184] : memref<1000000xf32, #tpu.memory_space<hbm>> -> memref<1600xf32, #tpu.memory_space<hbm>>
      %dma_wait3A_186 = arith.constant 0 : i32
      %dma_wait3A_187 = tpu.memref_slice %arg10[%dma_wait3A_186] : memref<12800xf32, #tpu.memory_space<vmem>> -> memref<1600xf32, #tpu.memory_space<vmem>>
      %dma_wait3A_188 = arith.constant 998400 : i32
      %dma_wait3A_189 = tpu.memref_slice %arg3[%dma_wait3A_188] : memref<1000000xf32, #tpu.memory_space<hbm>> -> memref<1600xf32, #tpu.memory_space<hbm>>
      tpu.wait_dma2 semaphore(%arg15 : memref<!tpu.dma_semaphore, #tpu.memory_space<semaphore_mem>>) src(%dma_wait3A_189 : memref<1600xf32, #tpu.memory_space<hbm>>) dst(%dma_wait3A_187 : memref<1600xf32, #tpu.memory_space<vmem>>)
      %dma_start3A_190 = arith.constant 0 : i32
      %dma_start3A_191 = tpu.memref_slice %arg10[%dma_start3A_190] : memref<12800xf32, #tpu.memory_space<vmem>> -> memref<1600xf32, #tpu.memory_space<vmem>>
      %dma_start3A_192 = arith.constant 998400 : i32
      %dma_start3A_193 = tpu.memref_slice %arg5[%dma_start3A_192] : memref<1000000xf32, #tpu.memory_space<vmem_shared>> -> memref<1600xf32, #tpu.memory_space<vmem_shared>>
      %dma_start3A_194 = arith.constant 998400 : i32
      %dma_start3A_195 = tpu.memref_slice %arg5[%dma_start3A_194] : memref<1000000xf32, #tpu.memory_space<vmem_shared>> -> memref<1600xf32, #tpu.memory_space<vmem_shared>>
      %dma_start3A_196 = arith.constant 0 : i32
      %dma_start3A_197 = tpu.memref_slice %arg10[%dma_start3A_196] : memref<12800xf32, #tpu.memory_space<vmem>> -> memref<1600xf32, #tpu.memory_space<vmem>>
      tpu.enqueue_dma source(%dma_start3A_197 : memref<1600xf32, #tpu.memory_space<vmem>>) target(%dma_start3A_195 : memref<1600xf32, #tpu.memory_space<vmem_shared>>) target_semaphore(%arg15 : memref<!tpu.dma_semaphore, #tpu.memory_space<semaphore_mem>>)
      %dma_wait3A_198 = arith.constant 0 : i32
      %dma_wait3A_199 = tpu.memref_slice %arg10[%dma_wait3A_198] : memref<12800xf32, #tpu.memory_space<vmem>> -> memref<1600xf32, #tpu.memory_space<vmem>>
      %dma_wait3A_200 = arith.constant 998400 : i32
      %dma_wait3A_201 = tpu.memref_slice %arg5[%dma_wait3A_200] : memref<1000000xf32, #tpu.memory_space<vmem_shared>> -> memref<1600xf32, #tpu.memory_space<vmem_shared>>
      %dma_wait3A_202 = arith.constant 998400 : i32
      %dma_wait3A_203 = tpu.memref_slice %arg5[%dma_wait3A_202] : memref<1000000xf32, #tpu.memory_space<vmem_shared>> -> memref<1600xf32, #tpu.memory_space<vmem_shared>>
      %dma_wait3A_204 = arith.constant 0 : i32
      %dma_wait3A_205 = tpu.memref_slice %arg10[%dma_wait3A_204] : memref<12800xf32, #tpu.memory_space<vmem>> -> memref<1600xf32, #tpu.memory_space<vmem>>
      tpu.wait_dma2 semaphore(%arg15 : memref<!tpu.dma_semaphore, #tpu.memory_space<semaphore_mem>>) src(%dma_wait3A_205 : memref<1600xf32, #tpu.memory_space<vmem>>) dst(%dma_wait3A_203 : memref<1600xf32, #tpu.memory_space<vmem_shared>>)
    } else {
    }
    %barrier3A = arith.constant 0 : index
    tpu.barrier barrier_id(%barrier3A)
    %dma_wait3A_87 = tpu.memref_slice %arg2[%mul3A_70] : memref<3276800xi32, #tpu.memory_space<hbm>> -> memref<12800xi32, #tpu.memory_space<hbm>>
    %dma_wait3A_88 = tpu.memref_slice %arg2[%mul3A_70] : memref<3276800xi32, #tpu.memory_space<hbm>> -> memref<12800xi32, #tpu.memory_space<hbm>>
    tpu.wait_dma2 semaphore(%arg13 : memref<!tpu.dma_semaphore, #tpu.memory_space<semaphore_mem>>) src(%dma_wait3A_88 : memref<12800xi32, #tpu.memory_space<hbm>>) dst(%arg6 : memref<12800xi32, #tpu.memory_space<vmem>>)
    %dma_start3A_89 = arith.constant 0 : i32
    %dma_start3A_90 = tpu.memref_slice %arg5[%dma_start3A_89] : memref<1000000xf32, #tpu.memory_space<vmem_shared>> -> memref<1000000xf32, #tpu.memory_space<vmem_shared>>
    tpu.enqueue_indirect_dma source(%dma_start3A_90 : memref<1000000xf32, #tpu.memory_space<vmem_shared>>) target(%arg8 : memref<12800xf32, #tpu.memory_space<vmem>>) offsets(%arg6 : memref<12800xi32, #tpu.memory_space<vmem>>) semaphore(%arg11 : memref<!tpu.dma_semaphore, #tpu.memory_space<semaphore_mem>>)
    %add3A_91 = arith.constant 12800 : i32
    %add3A_92 = arith.addi %mul3A_70, %add3A_91 : i32
    "tpu.region"() ({
      %run_scoped3A = tpu.sem_alloc : memref<!tpu.dma_semaphore, #tpu.memory_space<semaphore_mem>>
      %dma_start3A_182 = tpu.memref_slice %arg2[%add3A_92] : memref<3276800xi32, #tpu.memory_space<hbm>> -> memref<12800xi32, #tpu.memory_space<hbm>>
      %dma_start3A_183 = tpu.memref_slice %arg2[%add3A_92] : memref<3276800xi32, #tpu.memory_space<hbm>> -> memref<12800xi32, #tpu.memory_space<hbm>>
      tpu.enqueue_dma source(%dma_start3A_183 : memref<12800xi32, #tpu.memory_space<hbm>>) target(%arg7 : memref<12800xi32, #tpu.memory_space<vmem>>) target_semaphore(%run_scoped3A : memref<!tpu.dma_semaphore, #tpu.memory_space<semaphore_mem>>)
      %dma_wait3A_184 = tpu.memref_slice %arg2[%add3A_92] : memref<3276800xi32, #tpu.memory_space<hbm>> -> memref<12800xi32, #tpu.memory_space<hbm>>
      %dma_wait3A_185 = tpu.memref_slice %arg2[%add3A_92] : memref<3276800xi32, #tpu.memory_space<hbm>> -> memref<12800xi32, #tpu.memory_space<hbm>>
      tpu.wait_dma2 semaphore(%run_scoped3A : memref<!tpu.dma_semaphore, #tpu.memory_space<semaphore_mem>>) src(%dma_wait3A_185 : memref<12800xi32, #tpu.memory_space<hbm>>) dst(%arg7 : memref<12800xi32, #tpu.memory_space<vmem>>)
      tpu.yield
    }) : () -> ()
    %dma_start3A_93 = arith.constant 0 : i32
    %dma_start3A_94 = tpu.memref_slice %arg5[%dma_start3A_93] : memref<1000000xf32, #tpu.memory_space<vmem_shared>> -> memref<1000000xf32, #tpu.memory_space<vmem_shared>>
    tpu.enqueue_indirect_dma source(%dma_start3A_94 : memref<1000000xf32, #tpu.memory_space<vmem_shared>>) target(%arg9 : memref<12800xf32, #tpu.memory_space<vmem>>) offsets(%arg7 : memref<12800xi32, #tpu.memory_space<vmem>>) semaphore(%arg12 : memref<!tpu.dma_semaphore, #tpu.memory_space<semaphore_mem>>)
    %dma_wait3A_95 = arith.constant 0 : i32
    %dma_wait3A_96 = tpu.memref_slice %arg5[%dma_wait3A_95] : memref<1000000xf32, #tpu.memory_space<vmem_shared>> -> memref<1000000xf32, #tpu.memory_space<vmem_shared>>
    tpu.wait_indirect_dma semaphore(%arg11 : memref<!tpu.dma_semaphore, #tpu.memory_space<semaphore_mem>>) src(%dma_wait3A_96 : memref<1000000xf32, #tpu.memory_space<vmem_shared>>) dst(%arg8 : memref<12800xf32, #tpu.memory_space<vmem>>)
    %scan3A = arith.constant 0 : i32
    %scan3A_97 = arith.constant 0 : i32
    %scan3A_98 = arith.constant 200 : i32
    %scan3A_99 = arith.addi %scan3A_97, %scan3A_98 : i32
    %scan3A_100 = arith.constant 1 : i32
    scf.for %scan3A_182 = %scan3A_97 to %scan3A_99 step %scan3A_100  : i32 {
      %mul3A_183 = arith.constant 64 : i32
      %mul3A_184 = arith.muli %scan3A_182, %mul3A_183 : i32
      %add3A_185 = arith.constant 0 : i32
      %add3A_186 = arith.addi %mul3A_184, %add3A_185 : i32
      %get3A = arith.index_cast %add3A_186 : i32 to index
      %get3A_187 = tpu.vector_load %arg8[%get3A] {strides = array<i32>} : memref<12800xf32, #tpu.memory_space<vmem>>, vector<16xf32>,
      %get3A_188 = vector.shape_cast %get3A_187 : vector<16xf32> to vector<16xf32>
      %neg3A = arith.constant 0.000000e+00 : f32
      %neg3A_189 = vector.broadcast %neg3A : f32 to vector<16xf32>
      %neg3A_190 = arith.subf %neg3A_189, %get3A_188 : vector<16xf32>
      %exp3A = math.exp %neg3A_190 : vector<16xf32>
      %add3A_191 = arith.constant 1.000000e+00 : f32
      %add3A_192 = vector.broadcast %add3A_191 : f32 to vector<16xf32>
      %add3A_193 = arith.addf %add3A_192, %exp3A : vector<16xf32>
      %div3A = arith.constant 1.000000e+00 : f32
      %div3A_194 = vector.broadcast %div3A : f32 to vector<16xf32>
      %div3A_195 = arith.divf %div3A_194, %add3A_193 : vector<16xf32>
      %swap3A = arith.index_cast %add3A_186 : i32 to index
      %swap3A_196 = tpu.vector_load %arg8[%swap3A] {strides = array<i32>} : memref<12800xf32, #tpu.memory_space<vmem>>, vector<16xf32>,
      %swap3A_197 = vector.shape_cast %swap3A_196 : vector<16xf32> to vector<16xf32>
      %swap3A_198 = vector.shape_cast %div3A_195 : vector<16xf32> to vector<16xf32>
      tpu.vector_store %arg8[%swap3A], %swap3A_198 {strides = array<i32>} : memref<12800xf32, #tpu.memory_space<vmem>>, vector<16xf32>,
      %add3A_199 = arith.constant 16 : i32
      %add3A_200 = arith.addi %mul3A_184, %add3A_199 : i32
      %get3A_201 = arith.index_cast %add3A_200 : i32 to index
      %get3A_202 = tpu.vector_load %arg8[%get3A_201] {strides = array<i32>} : memref<12800xf32, #tpu.memory_space<vmem>>, vector<16xf32>,
      %get3A_203 = vector.shape_cast %get3A_202 : vector<16xf32> to vector<16xf32>
      %neg3A_204 = arith.constant 0.000000e+00 : f32
      %neg3A_205 = vector.broadcast %neg3A_204 : f32 to vector<16xf32>
      %neg3A_206 = arith.subf %neg3A_205, %get3A_203 : vector<16xf32>
      %exp3A_207 = math.exp %neg3A_206 : vector<16xf32>
      %add3A_208 = arith.constant 1.000000e+00 : f32
      %add3A_209 = vector.broadcast %add3A_208 : f32 to vector<16xf32>
      %add3A_210 = arith.addf %add3A_209, %exp3A_207 : vector<16xf32>
      %div3A_211 = arith.constant 1.000000e+00 : f32
      %div3A_212 = vector.broadcast %div3A_211 : f32 to vector<16xf32>
      %div3A_213 = arith.divf %div3A_212, %add3A_210 : vector<16xf32>
      %swap3A_214 = arith.index_cast %add3A_200 : i32 to index
      %swap3A_215 = tpu.vector_load %arg8[%swap3A_214] {strides = array<i32>} : memref<12800xf32, #tpu.memory_space<vmem>>, vector<16xf32>,
      %swap3A_216 = vector.shape_cast %swap3A_215 : vector<16xf32> to vector<16xf32>
      %swap3A_217 = vector.shape_cast %div3A_213 : vector<16xf32> to vector<16xf32>
      tpu.vector_store %arg8[%swap3A_214], %swap3A_217 {strides = array<i32>} : memref<12800xf32, #tpu.memory_space<vmem>>, vector<16xf32>,
      %add3A_218 = arith.constant 32 : i32
      %add3A_219 = arith.addi %mul3A_184, %add3A_218 : i32
      %get3A_220 = arith.index_cast %add3A_219 : i32 to index
      %get3A_221 = tpu.vector_load %arg8[%get3A_220] {strides = array<i32>} : memref<12800xf32, #tpu.memory_space<vmem>>, vector<16xf32>,
      %get3A_222 = vector.shape_cast %get3A_221 : vector<16xf32> to vector<16xf32>
      %neg3A_223 = arith.constant 0.000000e+00 : f32
      %neg3A_224 = vector.broadcast %neg3A_223 : f32 to vector<16xf32>
      %neg3A_225 = arith.subf %neg3A_224, %get3A_222 : vector<16xf32>
      %exp3A_226 = math.exp %neg3A_225 : vector<16xf32>
      %add3A_227 = arith.constant 1.000000e+00 : f32
      %add3A_228 = vector.broadcast %add3A_227 : f32 to vector<16xf32>
      %add3A_229 = arith.addf %add3A_228, %exp3A_226 : vector<16xf32>
      %div3A_230 = arith.constant 1.000000e+00 : f32
      %div3A_231 = vector.broadcast %div3A_230 : f32 to vector<16xf32>
      %div3A_232 = arith.divf %div3A_231, %add3A_229 : vector<16xf32>
      %swap3A_233 = arith.index_cast %add3A_219 : i32 to index
      %swap3A_234 = tpu.vector_load %arg8[%swap3A_233] {strides = array<i32>} : memref<12800xf32, #tpu.memory_space<vmem>>, vector<16xf32>,
      %swap3A_235 = vector.shape_cast %swap3A_234 : vector<16xf32> to vector<16xf32>
      %swap3A_236 = vector.shape_cast %div3A_232 : vector<16xf32> to vector<16xf32>
      tpu.vector_store %arg8[%swap3A_233], %swap3A_236 {strides = array<i32>} : memref<12800xf32, #tpu.memory_space<vmem>>, vector<16xf32>,
      %add3A_237 = arith.constant 48 : i32
      %add3A_238 = arith.addi %mul3A_184, %add3A_237 : i32
      %get3A_239 = arith.index_cast %add3A_238 : i32 to index
      %get3A_240 = tpu.vector_load %arg8[%get3A_239] {strides = array<i32>} : memref<12800xf32, #tpu.memory_space<vmem>>, vector<16xf32>,
      %get3A_241 = vector.shape_cast %get3A_240 : vector<16xf32> to vector<16xf32>
      %neg3A_242 = arith.constant 0.000000e+00 : f32
      %neg3A_243 = vector.broadcast %neg3A_242 : f32 to vector<16xf32>
      %neg3A_244 = arith.subf %neg3A_243, %get3A_241 : vector<16xf32>
      %exp3A_245 = math.exp %neg3A_244 : vector<16xf32>
      %add3A_246 = arith.constant 1.000000e+00 : f32
      %add3A_247 = vector.broadcast %add3A_246 : f32 to vector<16xf32>
      %add3A_248 = arith.addf %add3A_247, %exp3A_245 : vector<16xf32>
      %div3A_249 = arith.constant 1.000000e+00 : f32
      %div3A_250 = vector.broadcast %div3A_249 : f32 to vector<16xf32>
      %div3A_251 = arith.divf %div3A_250, %add3A_248 : vector<16xf32>
      %swap3A_252 = arith.index_cast %add3A_238 : i32 to index
      %swap3A_253 = tpu.vector_load %arg8[%swap3A_252] {strides = array<i32>} : memref<12800xf32, #tpu.memory_space<vmem>>, vector<16xf32>,
      %swap3A_254 = vector.shape_cast %swap3A_253 : vector<16xf32> to vector<16xf32>
      %swap3A_255 = vector.shape_cast %div3A_251 : vector<16xf32> to vector<16xf32>
      tpu.vector_store %arg8[%swap3A_252], %swap3A_255 {strides = array<i32>} : memref<12800xf32, #tpu.memory_space<vmem>>, vector<16xf32>,
    }
    %scan3A_101 = arith.constant 200 : i32
    "tpu.region"() ({
      %run_scoped3A = tpu.sem_alloc : memref<!tpu.dma_semaphore, #tpu.memory_space<semaphore_mem>>
      %dma_start3A_182 = tpu.memref_slice %arg4[%mul3A_70] : memref<3276800xf32, #tpu.memory_space<hbm>> -> memref<12800xf32, #tpu.memory_space<hbm>>
      %dma_start3A_183 = tpu.memref_slice %arg4[%mul3A_70] : memref<3276800xf32, #tpu.memory_space<hbm>> -> memref<12800xf32, #tpu.memory_space<hbm>>
      tpu.enqueue_dma source(%arg8 : memref<12800xf32, #tpu.memory_space<vmem>>) target(%dma_start3A_183 : memref<12800xf32, #tpu.memory_space<hbm>>) target_semaphore(%run_scoped3A : memref<!tpu.dma_semaphore, #tpu.memory_space<semaphore_mem>>)
      %dma_wait3A_184 = tpu.memref_slice %arg4[%mul3A_70] : memref<3276800xf32, #tpu.memory_space<hbm>> -> memref<12800xf32, #tpu.memory_space<hbm>>
      %dma_wait3A_185 = tpu.memref_slice %arg4[%mul3A_70] : memref<3276800xf32, #tpu.memory_space<hbm>> -> memref<12800xf32, #tpu.memory_space<hbm>>
      tpu.wait_dma2 semaphore(%run_scoped3A : memref<!tpu.dma_semaphore, #tpu.memory_space<semaphore_mem>>) src(%arg8 : memref<12800xf32, #tpu.memory_space<vmem>>) dst(%dma_wait3A_185 : memref<12800xf32, #tpu.memory_space<hbm>>)
      tpu.yield
    }) : () -> ()
    %add3A_102 = arith.constant 25600 : i32
    %add3A_103 = arith.addi %mul3A_70, %add3A_102 : i32
    "tpu.region"() ({
      %run_scoped3A = tpu.sem_alloc : memref<!tpu.dma_semaphore, #tpu.memory_space<semaphore_mem>>
      %dma_start3A_182 = tpu.memref_slice %arg2[%add3A_103] : memref<3276800xi32, #tpu.memory_space<hbm>> -> memref<12800xi32, #tpu.memory_space<hbm>>
      %dma_start3A_183 = tpu.memref_slice %arg2[%add3A_103] : memref<3276800xi32, #tpu.memory_space<hbm>> -> memref<12800xi32, #tpu.memory_space<hbm>>
      tpu.enqueue_dma source(%dma_start3A_183 : memref<12800xi32, #tpu.memory_space<hbm>>) target(%arg6 : memref<12800xi32, #tpu.memory_space<vmem>>) target_semaphore(%run_scoped3A : memref<!tpu.dma_semaphore, #tpu.memory_space<semaphore_mem>>)
      %dma_wait3A_184 = tpu.memref_slice %arg2[%add3A_103] : memref<3276800xi32, #tpu.memory_space<hbm>> -> memref<12800xi32, #tpu.memory_space<hbm>>
      %dma_wait3A_185 = tpu.memref_slice %arg2[%add3A_103] : memref<3276800xi32, #tpu.memory_space<hbm>> -> memref<12800xi32, #tpu.memory_space<hbm>>
      tpu.wait_dma2 semaphore(%run_scoped3A : memref<!tpu.dma_semaphore, #tpu.memory_space<semaphore_mem>>) src(%dma_wait3A_185 : memref<12800xi32, #tpu.memory_space<hbm>>) dst(%arg6 : memref<12800xi32, #tpu.memory_space<vmem>>)
      tpu.yield
    }) : () -> ()
    %dma_start3A_104 = arith.constant 0 : i32
    %dma_start3A_105 = tpu.memref_slice %arg5[%dma_start3A_104] : memref<1000000xf32, #tpu.memory_space<vmem_shared>> -> memref<1000000xf32, #tpu.memory_space<vmem_shared>>
    tpu.enqueue_indirect_dma source(%dma_start3A_105 : memref<1000000xf32, #tpu.memory_space<vmem_shared>>) target(%arg8 : memref<12800xf32, #tpu.memory_space<vmem>>) offsets(%arg6 : memref<12800xi32, #tpu.memory_space<vmem>>) semaphore(%arg11 : memref<!tpu.dma_semaphore, #tpu.memory_space<semaphore_mem>>)
    %dma_wait3A_106 = arith.constant 0 : i32
    %dma_wait3A_107 = tpu.memref_slice %arg5[%dma_wait3A_106] : memref<1000000xf32, #tpu.memory_space<vmem_shared>> -> memref<1000000xf32, #tpu.memory_space<vmem_shared>>
    tpu.wait_indirect_dma semaphore(%arg12 : memref<!tpu.dma_semaphore, #tpu.memory_space<semaphore_mem>>) src(%dma_wait3A_107 : memref<1000000xf32, #tpu.memory_space<vmem_shared>>) dst(%arg9 : memref<12800xf32, #tpu.memory_space<vmem>>)
    %scan3A_108 = arith.constant 0 : i32
    %scan3A_109 = arith.constant 0 : i32
    %scan3A_110 = arith.constant 200 : i32
    %scan3A_111 = arith.addi %scan3A_109, %scan3A_110 : i32
    %scan3A_112 = arith.constant 1 : i32
    scf.for %scan3A_182 = %scan3A_109 to %scan3A_111 step %scan3A_112  : i32 {
      %mul3A_183 = arith.constant 64 : i32
      %mul3A_184 = arith.muli %scan3A_182, %mul3A_183 : i32
      %add3A_185 = arith.constant 0 : i32
      %add3A_186 = arith.addi %mul3A_184, %add3A_185 : i32
      %get3A = arith.index_cast %add3A_186 : i32 to index
      %get3A_187 = tpu.vector_load %arg9[%get3A] {strides = array<i32>} : memref<12800xf32, #tpu.memory_space<vmem>>, vector<16xf32>,
      %get3A_188 = vector.shape_cast %get3A_187 : vector<16xf32> to vector<16xf32>
      %neg3A = arith.constant 0.000000e+00 : f32
      %neg3A_189 = vector.broadcast %neg3A : f32 to vector<16xf32>
      %neg3A_190 = arith.subf %neg3A_189, %get3A_188 : vector<16xf32>
      %exp3A = math.exp %neg3A_190 : vector<16xf32>
      %add3A_191 = arith.constant 1.000000e+00 : f32
      %add3A_192 = vector.broadcast %add3A_191 : f32 to vector<16xf32>
      %add3A_193 = arith.addf %add3A_192, %exp3A : vector<16xf32>
      %div3A = arith.constant 1.000000e+00 : f32
      %div3A_194 = vector.broadcast %div3A : f32 to vector<16xf32>
      %div3A_195 = arith.divf %div3A_194, %add3A_193 : vector<16xf32>
      %swap3A = arith.index_cast %add3A_186 : i32 to index
      %swap3A_196 = tpu.vector_load %arg9[%swap3A] {strides = array<i32>} : memref<12800xf32, #tpu.memory_space<vmem>>, vector<16xf32>,
      %swap3A_197 = vector.shape_cast %swap3A_196 : vector<16xf32> to vector<16xf32>
      %swap3A_198 = vector.shape_cast %div3A_195 : vector<16xf32> to vector<16xf32>
      tpu.vector_store %arg9[%swap3A], %swap3A_198 {strides = array<i32>} : memref<12800xf32, #tpu.memory_space<vmem>>, vector<16xf32>,
      %add3A_199 = arith.constant 16 : i32
      %add3A_200 = arith.addi %mul3A_184, %add3A_199 : i32
      %get3A_201 = arith.index_cast %add3A_200 : i32 to index
      %get3A_202 = tpu.vector_load %arg9[%get3A_201] {strides = array<i32>} : memref<12800xf32, #tpu.memory_space<vmem>>, vector<16xf32>,
      %get3A_203 = vector.shape_cast %get3A_202 : vector<16xf32> to vector<16xf32>
      %neg3A_204 = arith.constant 0.000000e+00 : f32
      %neg3A_205 = vector.broadcast %neg3A_204 : f32 to vector<16xf32>
      %neg3A_206 = arith.subf %neg3A_205, %get3A_203 : vector<16xf32>
      %exp3A_207 = math.exp %neg3A_206 : vector<16xf32>
      %add3A_208 = arith.constant 1.000000e+00 : f32
      %add3A_209 = vector.broadcast %add3A_208 : f32 to vector<16xf32>
      %add3A_210 = arith.addf %add3A_209, %exp3A_207 : vector<16xf32>
      %div3A_211 = arith.constant 1.000000e+00 : f32
      %div3A_212 = vector.broadcast %div3A_211 : f32 to vector<16xf32>
      %div3A_213 = arith.divf %div3A_212, %add3A_210 : vector<16xf32>
      %swap3A_214 = arith.index_cast %add3A_200 : i32 to index
      %swap3A_215 = tpu.vector_load %arg9[%swap3A_214] {strides = array<i32>} : memref<12800xf32, #tpu.memory_space<vmem>>, vector<16xf32>,
      %swap3A_216 = vector.shape_cast %swap3A_215 : vector<16xf32> to vector<16xf32>
      %swap3A_217 = vector.shape_cast %div3A_213 : vector<16xf32> to vector<16xf32>
      tpu.vector_store %arg9[%swap3A_214], %swap3A_217 {strides = array<i32>} : memref<12800xf32, #tpu.memory_space<vmem>>, vector<16xf32>,
      %add3A_218 = arith.constant 32 : i32
      %add3A_219 = arith.addi %mul3A_184, %add3A_218 : i32
      %get3A_220 = arith.index_cast %add3A_219 : i32 to index
      %get3A_221 = tpu.vector_load %arg9[%get3A_220] {strides = array<i32>} : memref<12800xf32, #tpu.memory_space<vmem>>, vector<16xf32>,
      %get3A_222 = vector.shape_cast %get3A_221 : vector<16xf32> to vector<16xf32>
      %neg3A_223 = arith.constant 0.000000e+00 : f32
      %neg3A_224 = vector.broadcast %neg3A_223 : f32 to vector<16xf32>
      %neg3A_225 = arith.subf %neg3A_224, %get3A_222 : vector<16xf32>
      %exp3A_226 = math.exp %neg3A_225 : vector<16xf32>
      %add3A_227 = arith.constant 1.000000e+00 : f32
      %add3A_228 = vector.broadcast %add3A_227 : f32 to vector<16xf32>
      %add3A_229 = arith.addf %add3A_228, %exp3A_226 : vector<16xf32>
      %div3A_230 = arith.constant 1.000000e+00 : f32
      %div3A_231 = vector.broadcast %div3A_230 : f32 to vector<16xf32>
      %div3A_232 = arith.divf %div3A_231, %add3A_229 : vector<16xf32>
      %swap3A_233 = arith.index_cast %add3A_219 : i32 to index
      %swap3A_234 = tpu.vector_load %arg9[%swap3A_233] {strides = array<i32>} : memref<12800xf32, #tpu.memory_space<vmem>>, vector<16xf32>,
      %swap3A_235 = vector.shape_cast %swap3A_234 : vector<16xf32> to vector<16xf32>
      %swap3A_236 = vector.shape_cast %div3A_232 : vector<16xf32> to vector<16xf32>
      tpu.vector_store %arg9[%swap3A_233], %swap3A_236 {strides = array<i32>} : memref<12800xf32, #tpu.memory_space<vmem>>, vector<16xf32>,
      %add3A_237 = arith.constant 48 : i32
      %add3A_238 = arith.addi %mul3A_184, %add3A_237 : i32
      %get3A_239 = arith.index_cast %add3A_238 : i32 to index
      %get3A_240 = tpu.vector_load %arg9[%get3A_239] {strides = array<i32>} : memref<12800xf32, #tpu.memory_space<vmem>>, vector<16xf32>,
      %get3A_241 = vector.shape_cast %get3A_240 : vector<16xf32> to vector<16xf32>
      %neg3A_242 = arith.constant 0.000000e+00 : f32
      %neg3A_243 = vector.broadcast %neg3A_242 : f32 to vector<16xf32>
      %neg3A_244 = arith.subf %neg3A_243, %get3A_241 : vector<16xf32>
      %exp3A_245 = math.exp %neg3A_244 : vector<16xf32>
      %add3A_246 = arith.constant 1.000000e+00 : f32
      %add3A_247 = vector.broadcast %add3A_246 : f32 to vector<16xf32>
      %add3A_248 = arith.addf %add3A_247, %exp3A_245 : vector<16xf32>
      %div3A_249 = arith.constant 1.000000e+00 : f32
      %div3A_250 = vector.broadcast %div3A_249 : f32 to vector<16xf32>
      %div3A_251 = arith.divf %div3A_250, %add3A_248 : vector<16xf32>
      %swap3A_252 = arith.index_cast %add3A_238 : i32 to index
      %swap3A_253 = tpu.vector_load %arg9[%swap3A_252] {strides = array<i32>} : memref<12800xf32, #tpu.memory_space<vmem>>, vector<16xf32>,
      %swap3A_254 = vector.shape_cast %swap3A_253 : vector<16xf32> to vector<16xf32>
      %swap3A_255 = vector.shape_cast %div3A_251 : vector<16xf32> to vector<16xf32>
      tpu.vector_store %arg9[%swap3A_252], %swap3A_255 {strides = array<i32>} : memref<12800xf32, #tpu.memory_space<vmem>>, vector<16xf32>,
    }
    %scan3A_113 = arith.constant 200 : i32
    "tpu.region"() ({
      %run_scoped3A = tpu.sem_alloc : memref<!tpu.dma_semaphore, #tpu.memory_space<semaphore_mem>>
      %dma_start3A_182 = tpu.memref_slice %arg4[%add3A_92] : memref<3276800xf32, #tpu.memory_space<hbm>> -> memref<12800xf32, #tpu.memory_space<hbm>>
      %dma_start3A_183 = tpu.memref_slice %arg4[%add3A_92] : memref<3276800xf32, #tpu.memory_space<hbm>> -> memref<12800xf32, #tpu.memory_space<hbm>>
      tpu.enqueue_dma source(%arg9 : memref<12800xf32, #tpu.memory_space<vmem>>) target(%dma_start3A_183 : memref<12800xf32, #tpu.memory_space<hbm>>) target_semaphore(%run_scoped3A : memref<!tpu.dma_semaphore, #tpu.memory_space<semaphore_mem>>)
      %dma_wait3A_184 = tpu.memref_slice %arg4[%add3A_92] : memref<3276800xf32, #tpu.memory_space<hbm>> -> memref<12800xf32, #tpu.memory_space<hbm>>
      %dma_wait3A_185 = tpu.memref_slice %arg4[%add3A_92] : memref<3276800xf32, #tpu.memory_space<hbm>> -> memref<12800xf32, #tpu.memory_space<hbm>>
      tpu.wait_dma2 semaphore(%run_scoped3A : memref<!tpu.dma_semaphore, #tpu.memory_space<semaphore_mem>>) src(%arg9 : memref<12800xf32, #tpu.memory_space<vmem>>) dst(%dma_wait3A_185 : memref<12800xf32, #tpu.memory_space<hbm>>)
      tpu.yield
    }) : () -> ()
    %add3A_114 = arith.constant 38400 : i32
    %add3A_115 = arith.addi %mul3A_70, %add3A_114 : i32
    "tpu.region"() ({
      %run_scoped3A = tpu.sem_alloc : memref<!tpu.dma_semaphore, #tpu.memory_space<semaphore_mem>>
      %dma_start3A_182 = tpu.memref_slice %arg2[%add3A_115] : memref<3276800xi32, #tpu.memory_space<hbm>> -> memref<12800xi32, #tpu.memory_space<hbm>>
      %dma_start3A_183 = tpu.memref_slice %arg2[%add3A_115] : memref<3276800xi32, #tpu.memory_space<hbm>> -> memref<12800xi32, #tpu.memory_space<hbm>>
      tpu.enqueue_dma source(%dma_start3A_183 : memref<12800xi32, #tpu.memory_space<hbm>>) target(%arg7 : memref<12800xi32, #tpu.memory_space<vmem>>) target_semaphore(%run_scoped3A : memref<!tpu.dma_semaphore, #tpu.memory_space<semaphore_mem>>)
      %dma_wait3A_184 = tpu.memref_slice %arg2[%add3A_115] : memref<3276800xi32, #tpu.memory_space<hbm>> -> memref<12800xi32, #tpu.memory_space<hbm>>
      %dma_wait3A_185 = tpu.memref_slice %arg2[%add3A_115] : memref<3276800xi32, #tpu.memory_space<hbm>> -> memref<12800xi32, #tpu.memory_space<hbm>>
      tpu.wait_dma2 semaphore(%run_scoped3A : memref<!tpu.dma_semaphore, #tpu.memory_space<semaphore_mem>>) src(%dma_wait3A_185 : memref<12800xi32, #tpu.memory_space<hbm>>) dst(%arg7 : memref<12800xi32, #tpu.memory_space<vmem>>)
      tpu.yield
    }) : () -> ()
    %dma_start3A_116 = arith.constant 0 : i32
    %dma_start3A_117 = tpu.memref_slice %arg5[%dma_start3A_116] : memref<1000000xf32, #tpu.memory_space<vmem_shared>> -> memref<1000000xf32, #tpu.memory_space<vmem_shared>>
    tpu.enqueue_indirect_dma source(%dma_start3A_117 : memref<1000000xf32, #tpu.memory_space<vmem_shared>>) target(%arg9 : memref<12800xf32, #tpu.memory_space<vmem>>) offsets(%arg7 : memref<12800xi32, #tpu.memory_space<vmem>>) semaphore(%arg12 : memref<!tpu.dma_semaphore, #tpu.memory_space<semaphore_mem>>)
    %dma_wait3A_118 = arith.constant 0 : i32
    %dma_wait3A_119 = tpu.memref_slice %arg5[%dma_wait3A_118] : memref<1000000xf32, #tpu.memory_space<vmem_shared>> -> memref<1000000xf32, #tpu.memory_space<vmem_shared>>
    tpu.wait_indirect_dma semaphore(%arg11 : memref<!tpu.dma_semaphore, #tpu.memory_space<semaphore_mem>>) src(%dma_wait3A_119 : memref<1000000xf32, #tpu.memory_space<vmem_shared>>) dst(%arg8 : memref<12800xf32, #tpu.memory_space<vmem>>)
    %scan3A_120 = arith.constant 0 : i32
    %scan3A_121 = arith.constant 0 : i32
    %scan3A_122 = arith.constant 200 : i32
    %scan3A_123 = arith.addi %scan3A_121, %scan3A_122 : i32
    %scan3A_124 = arith.constant 1 : i32
    scf.for %scan3A_182 = %scan3A_121 to %scan3A_123 step %scan3A_124  : i32 {
      %mul3A_183 = arith.constant 64 : i32
      %mul3A_184 = arith.muli %scan3A_182, %mul3A_183 : i32
      %add3A_185 = arith.constant 0 : i32
      %add3A_186 = arith.addi %mul3A_184, %add3A_185 : i32
      %get3A = arith.index_cast %add3A_186 : i32 to index
      %get3A_187 = tpu.vector_load %arg8[%get3A] {strides = array<i32>} : memref<12800xf32, #tpu.memory_space<vmem>>, vector<16xf32>,
      %get3A_188 = vector.shape_cast %get3A_187 : vector<16xf32> to vector<16xf32>
      %neg3A = arith.constant 0.000000e+00 : f32
      %neg3A_189 = vector.broadcast %neg3A : f32 to vector<16xf32>
      %neg3A_190 = arith.subf %neg3A_189, %get3A_188 : vector<16xf32>
      %exp3A = math.exp %neg3A_190 : vector<16xf32>
      %add3A_191 = arith.constant 1.000000e+00 : f32
      %add3A_192 = vector.broadcast %add3A_191 : f32 to vector<16xf32>
      %add3A_193 = arith.addf %add3A_192, %exp3A : vector<16xf32>
      %div3A = arith.constant 1.000000e+00 : f32
      %div3A_194 = vector.broadcast %div3A : f32 to vector<16xf32>
      %div3A_195 = arith.divf %div3A_194, %add3A_193 : vector<16xf32>
      %swap3A = arith.index_cast %add3A_186 : i32 to index
      %swap3A_196 = tpu.vector_load %arg8[%swap3A] {strides = array<i32>} : memref<12800xf32, #tpu.memory_space<vmem>>, vector<16xf32>,
      %swap3A_197 = vector.shape_cast %swap3A_196 : vector<16xf32> to vector<16xf32>
      %swap3A_198 = vector.shape_cast %div3A_195 : vector<16xf32> to vector<16xf32>
      tpu.vector_store %arg8[%swap3A], %swap3A_198 {strides = array<i32>} : memref<12800xf32, #tpu.memory_space<vmem>>, vector<16xf32>,
      %add3A_199 = arith.constant 16 : i32
      %add3A_200 = arith.addi %mul3A_184, %add3A_199 : i32
      %get3A_201 = arith.index_cast %add3A_200 : i32 to index
      %get3A_202 = tpu.vector_load %arg8[%get3A_201] {strides = array<i32>} : memref<12800xf32, #tpu.memory_space<vmem>>, vector<16xf32>,
      %get3A_203 = vector.shape_cast %get3A_202 : vector<16xf32> to vector<16xf32>
      %neg3A_204 = arith.constant 0.000000e+00 : f32
      %neg3A_205 = vector.broadcast %neg3A_204 : f32 to vector<16xf32>
      %neg3A_206 = arith.subf %neg3A_205, %get3A_203 : vector<16xf32>
      %exp3A_207 = math.exp %neg3A_206 : vector<16xf32>
      %add3A_208 = arith.constant 1.000000e+00 : f32
      %add3A_209 = vector.broadcast %add3A_208 : f32 to vector<16xf32>
      %add3A_210 = arith.addf %add3A_209, %exp3A_207 : vector<16xf32>
      %div3A_211 = arith.constant 1.000000e+00 : f32
      %div3A_212 = vector.broadcast %div3A_211 : f32 to vector<16xf32>
      %div3A_213 = arith.divf %div3A_212, %add3A_210 : vector<16xf32>
      %swap3A_214 = arith.index_cast %add3A_200 : i32 to index
      %swap3A_215 = tpu.vector_load %arg8[%swap3A_214] {strides = array<i32>} : memref<12800xf32, #tpu.memory_space<vmem>>, vector<16xf32>,
      %swap3A_216 = vector.shape_cast %swap3A_215 : vector<16xf32> to vector<16xf32>
      %swap3A_217 = vector.shape_cast %div3A_213 : vector<16xf32> to vector<16xf32>
      tpu.vector_store %arg8[%swap3A_214], %swap3A_217 {strides = array<i32>} : memref<12800xf32, #tpu.memory_space<vmem>>, vector<16xf32>,
      %add3A_218 = arith.constant 32 : i32
      %add3A_219 = arith.addi %mul3A_184, %add3A_218 : i32
      %get3A_220 = arith.index_cast %add3A_219 : i32 to index
      %get3A_221 = tpu.vector_load %arg8[%get3A_220] {strides = array<i32>} : memref<12800xf32, #tpu.memory_space<vmem>>, vector<16xf32>,
      %get3A_222 = vector.shape_cast %get3A_221 : vector<16xf32> to vector<16xf32>
      %neg3A_223 = arith.constant 0.000000e+00 : f32
      %neg3A_224 = vector.broadcast %neg3A_223 : f32 to vector<16xf32>
      %neg3A_225 = arith.subf %neg3A_224, %get3A_222 : vector<16xf32>
      %exp3A_226 = math.exp %neg3A_225 : vector<16xf32>
      %add3A_227 = arith.constant 1.000000e+00 : f32
      %add3A_228 = vector.broadcast %add3A_227 : f32 to vector<16xf32>
      %add3A_229 = arith.addf %add3A_228, %exp3A_226 : vector<16xf32>
      %div3A_230 = arith.constant 1.000000e+00 : f32
      %div3A_231 = vector.broadcast %div3A_230 : f32 to vector<16xf32>
      %div3A_232 = arith.divf %div3A_231, %add3A_229 : vector<16xf32>
      %swap3A_233 = arith.index_cast %add3A_219 : i32 to index
      %swap3A_234 = tpu.vector_load %arg8[%swap3A_233] {strides = array<i32>} : memref<12800xf32, #tpu.memory_space<vmem>>, vector<16xf32>,
      %swap3A_235 = vector.shape_cast %swap3A_234 : vector<16xf32> to vector<16xf32>
      %swap3A_236 = vector.shape_cast %div3A_232 : vector<16xf32> to vector<16xf32>
      tpu.vector_store %arg8[%swap3A_233], %swap3A_236 {strides = array<i32>} : memref<12800xf32, #tpu.memory_space<vmem>>, vector<16xf32>,
      %add3A_237 = arith.constant 48 : i32
      %add3A_238 = arith.addi %mul3A_184, %add3A_237 : i32
      %get3A_239 = arith.index_cast %add3A_238 : i32 to index
      %get3A_240 = tpu.vector_load %arg8[%get3A_239] {strides = array<i32>} : memref<12800xf32, #tpu.memory_space<vmem>>, vector<16xf32>,
      %get3A_241 = vector.shape_cast %get3A_240 : vector<16xf32> to vector<16xf32>
      %neg3A_242 = arith.constant 0.000000e+00 : f32
      %neg3A_243 = vector.broadcast %neg3A_242 : f32 to vector<16xf32>
      %neg3A_244 = arith.subf %neg3A_243, %get3A_241 : vector<16xf32>
      %exp3A_245 = math.exp %neg3A_244 : vector<16xf32>
      %add3A_246 = arith.constant 1.000000e+00 : f32
      %add3A_247 = vector.broadcast %add3A_246 : f32 to vector<16xf32>
      %add3A_248 = arith.addf %add3A_247, %exp3A_245 : vector<16xf32>
      %div3A_249 = arith.constant 1.000000e+00 : f32
      %div3A_250 = vector.broadcast %div3A_249 : f32 to vector<16xf32>
      %div3A_251 = arith.divf %div3A_250, %add3A_248 : vector<16xf32>
      %swap3A_252 = arith.index_cast %add3A_238 : i32 to index
      %swap3A_253 = tpu.vector_load %arg8[%swap3A_252] {strides = array<i32>} : memref<12800xf32, #tpu.memory_space<vmem>>, vector<16xf32>,
      %swap3A_254 = vector.shape_cast %swap3A_253 : vector<16xf32> to vector<16xf32>
      %swap3A_255 = vector.shape_cast %div3A_251 : vector<16xf32> to vector<16xf32>
      tpu.vector_store %arg8[%swap3A_252], %swap3A_255 {strides = array<i32>} : memref<12800xf32, #tpu.memory_space<vmem>>, vector<16xf32>,
    }
    %scan3A_125 = arith.constant 200 : i32
    "tpu.region"() ({
      %run_scoped3A = tpu.sem_alloc : memref<!tpu.dma_semaphore, #tpu.memory_space<semaphore_mem>>
      %dma_start3A_182 = tpu.memref_slice %arg4[%add3A_103] : memref<3276800xf32, #tpu.memory_space<hbm>> -> memref<12800xf32, #tpu.memory_space<hbm>>
      %dma_start3A_183 = tpu.memref_slice %arg4[%add3A_103] : memref<3276800xf32, #tpu.memory_space<hbm>> -> memref<12800xf32, #tpu.memory_space<hbm>>
      tpu.enqueue_dma source(%arg8 : memref<12800xf32, #tpu.memory_space<vmem>>) target(%dma_start3A_183 : memref<12800xf32, #tpu.memory_space<hbm>>) target_semaphore(%run_scoped3A : memref<!tpu.dma_semaphore, #tpu.memory_space<semaphore_mem>>)
      %dma_wait3A_184 = tpu.memref_slice %arg4[%add3A_103] : memref<3276800xf32, #tpu.memory_space<hbm>> -> memref<12800xf32, #tpu.memory_space<hbm>>
      %dma_wait3A_185 = tpu.memref_slice %arg4[%add3A_103] : memref<3276800xf32, #tpu.memory_space<hbm>> -> memref<12800xf32, #tpu.memory_space<hbm>>
      tpu.wait_dma2 semaphore(%run_scoped3A : memref<!tpu.dma_semaphore, #tpu.memory_space<semaphore_mem>>) src(%arg8 : memref<12800xf32, #tpu.memory_space<vmem>>) dst(%dma_wait3A_185 : memref<12800xf32, #tpu.memory_space<hbm>>)
      tpu.yield
    }) : () -> ()
    %add3A_126 = arith.constant 51200 : i32
    %add3A_127 = arith.addi %mul3A_70, %add3A_126 : i32
    "tpu.region"() ({
      %run_scoped3A = tpu.sem_alloc : memref<!tpu.dma_semaphore, #tpu.memory_space<semaphore_mem>>
      %dma_start3A_182 = tpu.memref_slice %arg2[%add3A_127] : memref<3276800xi32, #tpu.memory_space<hbm>> -> memref<12800xi32, #tpu.memory_space<hbm>>
      %dma_start3A_183 = tpu.memref_slice %arg2[%add3A_127] : memref<3276800xi32, #tpu.memory_space<hbm>> -> memref<12800xi32, #tpu.memory_space<hbm>>
      tpu.enqueue_dma source(%dma_start3A_183 : memref<12800xi32, #tpu.memory_space<hbm>>) target(%arg6 : memref<12800xi32, #tpu.memory_space<vmem>>) target_semaphore(%run_scoped3A : memref<!tpu.dma_semaphore, #tpu.memory_space<semaphore_mem>>)
      %dma_wait3A_184 = tpu.memref_slice %arg2[%add3A_127] : memref<3276800xi32, #tpu.memory_space<hbm>> -> memref<12800xi32, #tpu.memory_space<hbm>>
      %dma_wait3A_185 = tpu.memref_slice %arg2[%add3A_127] : memref<3276800xi32, #tpu.memory_space<hbm>> -> memref<12800xi32, #tpu.memory_space<hbm>>
      tpu.wait_dma2 semaphore(%run_scoped3A : memref<!tpu.dma_semaphore, #tpu.memory_space<semaphore_mem>>) src(%dma_wait3A_185 : memref<12800xi32, #tpu.memory_space<hbm>>) dst(%arg6 : memref<12800xi32, #tpu.memory_space<vmem>>)
      tpu.yield
    }) : () -> ()
    %dma_start3A_128 = arith.constant 0 : i32
    %dma_start3A_129 = tpu.memref_slice %arg5[%dma_start3A_128] : memref<1000000xf32, #tpu.memory_space<vmem_shared>> -> memref<1000000xf32, #tpu.memory_space<vmem_shared>>
    tpu.enqueue_indirect_dma source(%dma_start3A_129 : memref<1000000xf32, #tpu.memory_space<vmem_shared>>) target(%arg8 : memref<12800xf32, #tpu.memory_space<vmem>>) offsets(%arg6 : memref<12800xi32, #tpu.memory_space<vmem>>) semaphore(%arg11 : memref<!tpu.dma_semaphore, #tpu.memory_space<semaphore_mem>>)
    %dma_wait3A_130 = arith.constant 0 : i32
    %dma_wait3A_131 = tpu.memref_slice %arg5[%dma_wait3A_130] : memref<1000000xf32, #tpu.memory_space<vmem_shared>> -> memref<1000000xf32, #tpu.memory_space<vmem_shared>>
    tpu.wait_indirect_dma semaphore(%arg12 : memref<!tpu.dma_semaphore, #tpu.memory_space<semaphore_mem>>) src(%dma_wait3A_131 : memref<1000000xf32, #tpu.memory_space<vmem_shared>>) dst(%arg9 : memref<12800xf32, #tpu.memory_space<vmem>>)
    %scan3A_132 = arith.constant 0 : i32
    %scan3A_133 = arith.constant 0 : i32
    %scan3A_134 = arith.constant 200 : i32
    %scan3A_135 = arith.addi %scan3A_133, %scan3A_134 : i32
    %scan3A_136 = arith.constant 1 : i32
    scf.for %scan3A_182 = %scan3A_133 to %scan3A_135 step %scan3A_136  : i32 {
      %mul3A_183 = arith.constant 64 : i32
      %mul3A_184 = arith.muli %scan3A_182, %mul3A_183 : i32
      %add3A_185 = arith.constant 0 : i32
      %add3A_186 = arith.addi %mul3A_184, %add3A_185 : i32
      %get3A = arith.index_cast %add3A_186 : i32 to index
      %get3A_187 = tpu.vector_load %arg9[%get3A] {strides = array<i32>} : memref<12800xf32, #tpu.memory_space<vmem>>, vector<16xf32>,
      %get3A_188 = vector.shape_cast %get3A_187 : vector<16xf32> to vector<16xf32>
      %neg3A = arith.constant 0.000000e+00 : f32
      %neg3A_189 = vector.broadcast %neg3A : f32 to vector<16xf32>
      %neg3A_190 = arith.subf %neg3A_189, %get3A_188 : vector<16xf32>
      %exp3A = math.exp %neg3A_190 : vector<16xf32>
      %add3A_191 = arith.constant 1.000000e+00 : f32
      %add3A_192 = vector.broadcast %add3A_191 : f32 to vector<16xf32>
      %add3A_193 = arith.addf %add3A_192, %exp3A : vector<16xf32>
      %div3A = arith.constant 1.000000e+00 : f32
      %div3A_194 = vector.broadcast %div3A : f32 to vector<16xf32>
      %div3A_195 = arith.divf %div3A_194, %add3A_193 : vector<16xf32>
      %swap3A = arith.index_cast %add3A_186 : i32 to index
      %swap3A_196 = tpu.vector_load %arg9[%swap3A] {strides = array<i32>} : memref<12800xf32, #tpu.memory_space<vmem>>, vector<16xf32>,
      %swap3A_197 = vector.shape_cast %swap3A_196 : vector<16xf32> to vector<16xf32>
      %swap3A_198 = vector.shape_cast %div3A_195 : vector<16xf32> to vector<16xf32>
      tpu.vector_store %arg9[%swap3A], %swap3A_198 {strides = array<i32>} : memref<12800xf32, #tpu.memory_space<vmem>>, vector<16xf32>,
      %add3A_199 = arith.constant 16 : i32
      %add3A_200 = arith.addi %mul3A_184, %add3A_199 : i32
      %get3A_201 = arith.index_cast %add3A_200 : i32 to index
      %get3A_202 = tpu.vector_load %arg9[%get3A_201] {strides = array<i32>} : memref<12800xf32, #tpu.memory_space<vmem>>, vector<16xf32>,
      %get3A_203 = vector.shape_cast %get3A_202 : vector<16xf32> to vector<16xf32>
      %neg3A_204 = arith.constant 0.000000e+00 : f32
      %neg3A_205 = vector.broadcast %neg3A_204 : f32 to vector<16xf32>
      %neg3A_206 = arith.subf %neg3A_205, %get3A_203 : vector<16xf32>
      %exp3A_207 = math.exp %neg3A_206 : vector<16xf32>
      %add3A_208 = arith.constant 1.000000e+00 : f32
      %add3A_209 = vector.broadcast %add3A_208 : f32 to vector<16xf32>
      %add3A_210 = arith.addf %add3A_209, %exp3A_207 : vector<16xf32>
      %div3A_211 = arith.constant 1.000000e+00 : f32
      %div3A_212 = vector.broadcast %div3A_211 : f32 to vector<16xf32>
      %div3A_213 = arith.divf %div3A_212, %add3A_210 : vector<16xf32>
      %swap3A_214 = arith.index_cast %add3A_200 : i32 to index
      %swap3A_215 = tpu.vector_load %arg9[%swap3A_214] {strides = array<i32>} : memref<12800xf32, #tpu.memory_space<vmem>>, vector<16xf32>,
      %swap3A_216 = vector.shape_cast %swap3A_215 : vector<16xf32> to vector<16xf32>
      %swap3A_217 = vector.shape_cast %div3A_213 : vector<16xf32> to vector<16xf32>
      tpu.vector_store %arg9[%swap3A_214], %swap3A_217 {strides = array<i32>} : memref<12800xf32, #tpu.memory_space<vmem>>, vector<16xf32>,
      %add3A_218 = arith.constant 32 : i32
      %add3A_219 = arith.addi %mul3A_184, %add3A_218 : i32
      %get3A_220 = arith.index_cast %add3A_219 : i32 to index
      %get3A_221 = tpu.vector_load %arg9[%get3A_220] {strides = array<i32>} : memref<12800xf32, #tpu.memory_space<vmem>>, vector<16xf32>,
      %get3A_222 = vector.shape_cast %get3A_221 : vector<16xf32> to vector<16xf32>
      %neg3A_223 = arith.constant 0.000000e+00 : f32
      %neg3A_224 = vector.broadcast %neg3A_223 : f32 to vector<16xf32>
      %neg3A_225 = arith.subf %neg3A_224, %get3A_222 : vector<16xf32>
      %exp3A_226 = math.exp %neg3A_225 : vector<16xf32>
      %add3A_227 = arith.constant 1.000000e+00 : f32
      %add3A_228 = vector.broadcast %add3A_227 : f32 to vector<16xf32>
      %add3A_229 = arith.addf %add3A_228, %exp3A_226 : vector<16xf32>
      %div3A_230 = arith.constant 1.000000e+00 : f32
      %div3A_231 = vector.broadcast %div3A_230 : f32 to vector<16xf32>
      %div3A_232 = arith.divf %div3A_231, %add3A_229 : vector<16xf32>
      %swap3A_233 = arith.index_cast %add3A_219 : i32 to index
      %swap3A_234 = tpu.vector_load %arg9[%swap3A_233] {strides = array<i32>} : memref<12800xf32, #tpu.memory_space<vmem>>, vector<16xf32>,
      %swap3A_235 = vector.shape_cast %swap3A_234 : vector<16xf32> to vector<16xf32>
      %swap3A_236 = vector.shape_cast %div3A_232 : vector<16xf32> to vector<16xf32>
      tpu.vector_store %arg9[%swap3A_233], %swap3A_236 {strides = array<i32>} : memref<12800xf32, #tpu.memory_space<vmem>>, vector<16xf32>,
      %add3A_237 = arith.constant 48 : i32
      %add3A_238 = arith.addi %mul3A_184, %add3A_237 : i32
      %get3A_239 = arith.index_cast %add3A_238 : i32 to index
      %get3A_240 = tpu.vector_load %arg9[%get3A_239] {strides = array<i32>} : memref<12800xf32, #tpu.memory_space<vmem>>, vector<16xf32>,
      %get3A_241 = vector.shape_cast %get3A_240 : vector<16xf32> to vector<16xf32>
      %neg3A_242 = arith.constant 0.000000e+00 : f32
      %neg3A_243 = vector.broadcast %neg3A_242 : f32 to vector<16xf32>
      %neg3A_244 = arith.subf %neg3A_243, %get3A_241 : vector<16xf32>
      %exp3A_245 = math.exp %neg3A_244 : vector<16xf32>
      %add3A_246 = arith.constant 1.000000e+00 : f32
      %add3A_247 = vector.broadcast %add3A_246 : f32 to vector<16xf32>
      %add3A_248 = arith.addf %add3A_247, %exp3A_245 : vector<16xf32>
      %div3A_249 = arith.constant 1.000000e+00 : f32
      %div3A_250 = vector.broadcast %div3A_249 : f32 to vector<16xf32>
      %div3A_251 = arith.divf %div3A_250, %add3A_248 : vector<16xf32>
      %swap3A_252 = arith.index_cast %add3A_238 : i32 to index
      %swap3A_253 = tpu.vector_load %arg9[%swap3A_252] {strides = array<i32>} : memref<12800xf32, #tpu.memory_space<vmem>>, vector<16xf32>,
      %swap3A_254 = vector.shape_cast %swap3A_253 : vector<16xf32> to vector<16xf32>
      %swap3A_255 = vector.shape_cast %div3A_251 : vector<16xf32> to vector<16xf32>
      tpu.vector_store %arg9[%swap3A_252], %swap3A_255 {strides = array<i32>} : memref<12800xf32, #tpu.memory_space<vmem>>, vector<16xf32>,
    }
    %scan3A_137 = arith.constant 200 : i32
    "tpu.region"() ({
      %run_scoped3A = tpu.sem_alloc : memref<!tpu.dma_semaphore, #tpu.memory_space<semaphore_mem>>
      %dma_start3A_182 = tpu.memref_slice %arg4[%add3A_115] : memref<3276800xf32, #tpu.memory_space<hbm>> -> memref<12800xf32, #tpu.memory_space<hbm>>
      %dma_start3A_183 = tpu.memref_slice %arg4[%add3A_115] : memref<3276800xf32, #tpu.memory_space<hbm>> -> memref<12800xf32, #tpu.memory_space<hbm>>
      tpu.enqueue_dma source(%arg9 : memref<12800xf32, #tpu.memory_space<vmem>>) target(%dma_start3A_183 : memref<12800xf32, #tpu.memory_space<hbm>>) target_semaphore(%run_scoped3A : memref<!tpu.dma_semaphore, #tpu.memory_space<semaphore_mem>>)
      %dma_wait3A_184 = tpu.memref_slice %arg4[%add3A_115] : memref<3276800xf32, #tpu.memory_space<hbm>> -> memref<12800xf32, #tpu.memory_space<hbm>>
      %dma_wait3A_185 = tpu.memref_slice %arg4[%add3A_115] : memref<3276800xf32, #tpu.memory_space<hbm>> -> memref<12800xf32, #tpu.memory_space<hbm>>
      tpu.wait_dma2 semaphore(%run_scoped3A : memref<!tpu.dma_semaphore, #tpu.memory_space<semaphore_mem>>) src(%arg9 : memref<12800xf32, #tpu.memory_space<vmem>>) dst(%dma_wait3A_185 : memref<12800xf32, #tpu.memory_space<hbm>>)
      tpu.yield
    }) : () -> ()
    %add3A_138 = arith.constant 64000 : i32
    %add3A_139 = arith.addi %mul3A_70, %add3A_138 : i32
    "tpu.region"() ({
      %run_scoped3A = tpu.sem_alloc : memref<!tpu.dma_semaphore, #tpu.memory_space<semaphore_mem>>
      %dma_start3A_182 = tpu.memref_slice %arg2[%add3A_139] : memref<3276800xi32, #tpu.memory_space<hbm>> -> memref<12800xi32, #tpu.memory_space<hbm>>
      %dma_start3A_183 = tpu.memref_slice %arg2[%add3A_139] : memref<3276800xi32, #tpu.memory_space<hbm>> -> memref<12800xi32, #tpu.memory_space<hbm>>
      tpu.enqueue_dma source(%dma_start3A_183 : memref<12800xi32, #tpu.memory_space<hbm>>) target(%arg7 : memref<12800xi32, #tpu.memory_space<vmem>>) target_semaphore(%run_scoped3A : memref<!tpu.dma_semaphore, #tpu.memory_space<semaphore_mem>>)
      %dma_wait3A_184 = tpu.memref_slice %arg2[%add3A_139] : memref<3276800xi32, #tpu.memory_space<hbm>> -> memref<12800xi32, #tpu.memory_space<hbm>>
      %dma_wait3A_185 = tpu.memref_slice %arg2[%add3A_139] : memref<3276800xi32, #tpu.memory_space<hbm>> -> memref<12800xi32, #tpu.memory_space<hbm>>
      tpu.wait_dma2 semaphore(%run_scoped3A : memref<!tpu.dma_semaphore, #tpu.memory_space<semaphore_mem>>) src(%dma_wait3A_185 : memref<12800xi32, #tpu.memory_space<hbm>>) dst(%arg7 : memref<12800xi32, #tpu.memory_space<vmem>>)
      tpu.yield
    }) : () -> ()
    %dma_start3A_140 = arith.constant 0 : i32
    %dma_start3A_141 = tpu.memref_slice %arg5[%dma_start3A_140] : memref<1000000xf32, #tpu.memory_space<vmem_shared>> -> memref<1000000xf32, #tpu.memory_space<vmem_shared>>
    tpu.enqueue_indirect_dma source(%dma_start3A_141 : memref<1000000xf32, #tpu.memory_space<vmem_shared>>) target(%arg9 : memref<12800xf32, #tpu.memory_space<vmem>>) offsets(%arg7 : memref<12800xi32, #tpu.memory_space<vmem>>) semaphore(%arg12 : memref<!tpu.dma_semaphore, #tpu.memory_space<semaphore_mem>>)
    %dma_wait3A_142 = arith.constant 0 : i32
    %dma_wait3A_143 = tpu.memref_slice %arg5[%dma_wait3A_142] : memref<1000000xf32, #tpu.memory_space<vmem_shared>> -> memref<1000000xf32, #tpu.memory_space<vmem_shared>>
    tpu.wait_indirect_dma semaphore(%arg11 : memref<!tpu.dma_semaphore, #tpu.memory_space<semaphore_mem>>) src(%dma_wait3A_143 : memref<1000000xf32, #tpu.memory_space<vmem_shared>>) dst(%arg8 : memref<12800xf32, #tpu.memory_space<vmem>>)
    %scan3A_144 = arith.constant 0 : i32
    %scan3A_145 = arith.constant 0 : i32
    %scan3A_146 = arith.constant 200 : i32
    %scan3A_147 = arith.addi %scan3A_145, %scan3A_146 : i32
    %scan3A_148 = arith.constant 1 : i32
    scf.for %scan3A_182 = %scan3A_145 to %scan3A_147 step %scan3A_148  : i32 {
      %mul3A_183 = arith.constant 64 : i32
      %mul3A_184 = arith.muli %scan3A_182, %mul3A_183 : i32
      %add3A_185 = arith.constant 0 : i32
      %add3A_186 = arith.addi %mul3A_184, %add3A_185 : i32
      %get3A = arith.index_cast %add3A_186 : i32 to index
      %get3A_187 = tpu.vector_load %arg8[%get3A] {strides = array<i32>} : memref<12800xf32, #tpu.memory_space<vmem>>, vector<16xf32>,
      %get3A_188 = vector.shape_cast %get3A_187 : vector<16xf32> to vector<16xf32>
      %neg3A = arith.constant 0.000000e+00 : f32
      %neg3A_189 = vector.broadcast %neg3A : f32 to vector<16xf32>
      %neg3A_190 = arith.subf %neg3A_189, %get3A_188 : vector<16xf32>
      %exp3A = math.exp %neg3A_190 : vector<16xf32>
      %add3A_191 = arith.constant 1.000000e+00 : f32
      %add3A_192 = vector.broadcast %add3A_191 : f32 to vector<16xf32>
      %add3A_193 = arith.addf %add3A_192, %exp3A : vector<16xf32>
      %div3A = arith.constant 1.000000e+00 : f32
      %div3A_194 = vector.broadcast %div3A : f32 to vector<16xf32>
      %div3A_195 = arith.divf %div3A_194, %add3A_193 : vector<16xf32>
      %swap3A = arith.index_cast %add3A_186 : i32 to index
      %swap3A_196 = tpu.vector_load %arg8[%swap3A] {strides = array<i32>} : memref<12800xf32, #tpu.memory_space<vmem>>, vector<16xf32>,
      %swap3A_197 = vector.shape_cast %swap3A_196 : vector<16xf32> to vector<16xf32>
      %swap3A_198 = vector.shape_cast %div3A_195 : vector<16xf32> to vector<16xf32>
      tpu.vector_store %arg8[%swap3A], %swap3A_198 {strides = array<i32>} : memref<12800xf32, #tpu.memory_space<vmem>>, vector<16xf32>,
      %add3A_199 = arith.constant 16 : i32
      %add3A_200 = arith.addi %mul3A_184, %add3A_199 : i32
      %get3A_201 = arith.index_cast %add3A_200 : i32 to index
      %get3A_202 = tpu.vector_load %arg8[%get3A_201] {strides = array<i32>} : memref<12800xf32, #tpu.memory_space<vmem>>, vector<16xf32>,
      %get3A_203 = vector.shape_cast %get3A_202 : vector<16xf32> to vector<16xf32>
      %neg3A_204 = arith.constant 0.000000e+00 : f32
      %neg3A_205 = vector.broadcast %neg3A_204 : f32 to vector<16xf32>
      %neg3A_206 = arith.subf %neg3A_205, %get3A_203 : vector<16xf32>
      %exp3A_207 = math.exp %neg3A_206 : vector<16xf32>
      %add3A_208 = arith.constant 1.000000e+00 : f32
      %add3A_209 = vector.broadcast %add3A_208 : f32 to vector<16xf32>
      %add3A_210 = arith.addf %add3A_209, %exp3A_207 : vector<16xf32>
      %div3A_211 = arith.constant 1.000000e+00 : f32
      %div3A_212 = vector.broadcast %div3A_211 : f32 to vector<16xf32>
      %div3A_213 = arith.divf %div3A_212, %add3A_210 : vector<16xf32>
      %swap3A_214 = arith.index_cast %add3A_200 : i32 to index
      %swap3A_215 = tpu.vector_load %arg8[%swap3A_214] {strides = array<i32>} : memref<12800xf32, #tpu.memory_space<vmem>>, vector<16xf32>,
      %swap3A_216 = vector.shape_cast %swap3A_215 : vector<16xf32> to vector<16xf32>
      %swap3A_217 = vector.shape_cast %div3A_213 : vector<16xf32> to vector<16xf32>
      tpu.vector_store %arg8[%swap3A_214], %swap3A_217 {strides = array<i32>} : memref<12800xf32, #tpu.memory_space<vmem>>, vector<16xf32>,
      %add3A_218 = arith.constant 32 : i32
      %add3A_219 = arith.addi %mul3A_184, %add3A_218 : i32
      %get3A_220 = arith.index_cast %add3A_219 : i32 to index
      %get3A_221 = tpu.vector_load %arg8[%get3A_220] {strides = array<i32>} : memref<12800xf32, #tpu.memory_space<vmem>>, vector<16xf32>,
      %get3A_222 = vector.shape_cast %get3A_221 : vector<16xf32> to vector<16xf32>
      %neg3A_223 = arith.constant 0.000000e+00 : f32
      %neg3A_224 = vector.broadcast %neg3A_223 : f32 to vector<16xf32>
      %neg3A_225 = arith.subf %neg3A_224, %get3A_222 : vector<16xf32>
      %exp3A_226 = math.exp %neg3A_225 : vector<16xf32>
      %add3A_227 = arith.constant 1.000000e+00 : f32
      %add3A_228 = vector.broadcast %add3A_227 : f32 to vector<16xf32>
      %add3A_229 = arith.addf %add3A_228, %exp3A_226 : vector<16xf32>
      %div3A_230 = arith.constant 1.000000e+00 : f32
      %div3A_231 = vector.broadcast %div3A_230 : f32 to vector<16xf32>
      %div3A_232 = arith.divf %div3A_231, %add3A_229 : vector<16xf32>
      %swap3A_233 = arith.index_cast %add3A_219 : i32 to index
      %swap3A_234 = tpu.vector_load %arg8[%swap3A_233] {strides = array<i32>} : memref<12800xf32, #tpu.memory_space<vmem>>, vector<16xf32>,
      %swap3A_235 = vector.shape_cast %swap3A_234 : vector<16xf32> to vector<16xf32>
      %swap3A_236 = vector.shape_cast %div3A_232 : vector<16xf32> to vector<16xf32>
      tpu.vector_store %arg8[%swap3A_233], %swap3A_236 {strides = array<i32>} : memref<12800xf32, #tpu.memory_space<vmem>>, vector<16xf32>,
      %add3A_237 = arith.constant 48 : i32
      %add3A_238 = arith.addi %mul3A_184, %add3A_237 : i32
      %get3A_239 = arith.index_cast %add3A_238 : i32 to index
      %get3A_240 = tpu.vector_load %arg8[%get3A_239] {strides = array<i32>} : memref<12800xf32, #tpu.memory_space<vmem>>, vector<16xf32>,
      %get3A_241 = vector.shape_cast %get3A_240 : vector<16xf32> to vector<16xf32>
      %neg3A_242 = arith.constant 0.000000e+00 : f32
      %neg3A_243 = vector.broadcast %neg3A_242 : f32 to vector<16xf32>
      %neg3A_244 = arith.subf %neg3A_243, %get3A_241 : vector<16xf32>
      %exp3A_245 = math.exp %neg3A_244 : vector<16xf32>
      %add3A_246 = arith.constant 1.000000e+00 : f32
      %add3A_247 = vector.broadcast %add3A_246 : f32 to vector<16xf32>
      %add3A_248 = arith.addf %add3A_247, %exp3A_245 : vector<16xf32>
      %div3A_249 = arith.constant 1.000000e+00 : f32
      %div3A_250 = vector.broadcast %div3A_249 : f32 to vector<16xf32>
      %div3A_251 = arith.divf %div3A_250, %add3A_248 : vector<16xf32>
      %swap3A_252 = arith.index_cast %add3A_238 : i32 to index
      %swap3A_253 = tpu.vector_load %arg8[%swap3A_252] {strides = array<i32>} : memref<12800xf32, #tpu.memory_space<vmem>>, vector<16xf32>,
      %swap3A_254 = vector.shape_cast %swap3A_253 : vector<16xf32> to vector<16xf32>
      %swap3A_255 = vector.shape_cast %div3A_251 : vector<16xf32> to vector<16xf32>
      tpu.vector_store %arg8[%swap3A_252], %swap3A_255 {strides = array<i32>} : memref<12800xf32, #tpu.memory_space<vmem>>, vector<16xf32>,
    }
    %scan3A_149 = arith.constant 200 : i32
    "tpu.region"() ({
      %run_scoped3A = tpu.sem_alloc : memref<!tpu.dma_semaphore, #tpu.memory_space<semaphore_mem>>
      %dma_start3A_182 = tpu.memref_slice %arg4[%add3A_127] : memref<3276800xf32, #tpu.memory_space<hbm>> -> memref<12800xf32, #tpu.memory_space<hbm>>
      %dma_start3A_183 = tpu.memref_slice %arg4[%add3A_127] : memref<3276800xf32, #tpu.memory_space<hbm>> -> memref<12800xf32, #tpu.memory_space<hbm>>
      tpu.enqueue_dma source(%arg8 : memref<12800xf32, #tpu.memory_space<vmem>>) target(%dma_start3A_183 : memref<12800xf32, #tpu.memory_space<hbm>>) target_semaphore(%run_scoped3A : memref<!tpu.dma_semaphore, #tpu.memory_space<semaphore_mem>>)
      %dma_wait3A_184 = tpu.memref_slice %arg4[%add3A_127] : memref<3276800xf32, #tpu.memory_space<hbm>> -> memref<12800xf32, #tpu.memory_space<hbm>>
      %dma_wait3A_185 = tpu.memref_slice %arg4[%add3A_127] : memref<3276800xf32, #tpu.memory_space<hbm>> -> memref<12800xf32, #tpu.memory_space<hbm>>
      tpu.wait_dma2 semaphore(%run_scoped3A : memref<!tpu.dma_semaphore, #tpu.memory_space<semaphore_mem>>) src(%arg8 : memref<12800xf32, #tpu.memory_space<vmem>>) dst(%dma_wait3A_185 : memref<12800xf32, #tpu.memory_space<hbm>>)
      tpu.yield
    }) : () -> ()
    %add3A_150 = arith.constant 76800 : i32
    %add3A_151 = arith.addi %mul3A_70, %add3A_150 : i32
    "tpu.region"() ({
      %run_scoped3A = tpu.sem_alloc : memref<!tpu.dma_semaphore, #tpu.memory_space<semaphore_mem>>
      %dma_start3A_182 = tpu.memref_slice %arg2[%add3A_151] : memref<3276800xi32, #tpu.memory_space<hbm>> -> memref<12800xi32, #tpu.memory_space<hbm>>
      %dma_start3A_183 = tpu.memref_slice %arg2[%add3A_151] : memref<3276800xi32, #tpu.memory_space<hbm>> -> memref<12800xi32, #tpu.memory_space<hbm>>
      tpu.enqueue_dma source(%dma_start3A_183 : memref<12800xi32, #tpu.memory_space<hbm>>) target(%arg6 : memref<12800xi32, #tpu.memory_space<vmem>>) target_semaphore(%run_scoped3A : memref<!tpu.dma_semaphore, #tpu.memory_space<semaphore_mem>>)
      %dma_wait3A_184 = tpu.memref_slice %arg2[%add3A_151] : memref<3276800xi32, #tpu.memory_space<hbm>> -> memref<12800xi32, #tpu.memory_space<hbm>>
      %dma_wait3A_185 = tpu.memref_slice %arg2[%add3A_151] : memref<3276800xi32, #tpu.memory_space<hbm>> -> memref<12800xi32, #tpu.memory_space<hbm>>
      tpu.wait_dma2 semaphore(%run_scoped3A : memref<!tpu.dma_semaphore, #tpu.memory_space<semaphore_mem>>) src(%dma_wait3A_185 : memref<12800xi32, #tpu.memory_space<hbm>>) dst(%arg6 : memref<12800xi32, #tpu.memory_space<vmem>>)
      tpu.yield
    }) : () -> ()
    %dma_start3A_152 = arith.constant 0 : i32
    %dma_start3A_153 = tpu.memref_slice %arg5[%dma_start3A_152] : memref<1000000xf32, #tpu.memory_space<vmem_shared>> -> memref<1000000xf32, #tpu.memory_space<vmem_shared>>
    tpu.enqueue_indirect_dma source(%dma_start3A_153 : memref<1000000xf32, #tpu.memory_space<vmem_shared>>) target(%arg8 : memref<12800xf32, #tpu.memory_space<vmem>>) offsets(%arg6 : memref<12800xi32, #tpu.memory_space<vmem>>) semaphore(%arg11 : memref<!tpu.dma_semaphore, #tpu.memory_space<semaphore_mem>>)
    %dma_wait3A_154 = arith.constant 0 : i32
    %dma_wait3A_155 = tpu.memref_slice %arg5[%dma_wait3A_154] : memref<1000000xf32, #tpu.memory_space<vmem_shared>> -> memref<1000000xf32, #tpu.memory_space<vmem_shared>>
    tpu.wait_indirect_dma semaphore(%arg12 : memref<!tpu.dma_semaphore, #tpu.memory_space<semaphore_mem>>) src(%dma_wait3A_155 : memref<1000000xf32, #tpu.memory_space<vmem_shared>>) dst(%arg9 : memref<12800xf32, #tpu.memory_space<vmem>>)
    %scan3A_156 = arith.constant 0 : i32
    %scan3A_157 = arith.constant 0 : i32
    %scan3A_158 = arith.constant 200 : i32
    %scan3A_159 = arith.addi %scan3A_157, %scan3A_158 : i32
    %scan3A_160 = arith.constant 1 : i32
    scf.for %scan3A_182 = %scan3A_157 to %scan3A_159 step %scan3A_160  : i32 {
      %mul3A_183 = arith.constant 64 : i32
      %mul3A_184 = arith.muli %scan3A_182, %mul3A_183 : i32
      %add3A_185 = arith.constant 0 : i32
      %add3A_186 = arith.addi %mul3A_184, %add3A_185 : i32
      %get3A = arith.index_cast %add3A_186 : i32 to index
      %get3A_187 = tpu.vector_load %arg9[%get3A] {strides = array<i32>} : memref<12800xf32, #tpu.memory_space<vmem>>, vector<16xf32>,
      %get3A_188 = vector.shape_cast %get3A_187 : vector<16xf32> to vector<16xf32>
      %neg3A = arith.constant 0.000000e+00 : f32
      %neg3A_189 = vector.broadcast %neg3A : f32 to vector<16xf32>
      %neg3A_190 = arith.subf %neg3A_189, %get3A_188 : vector<16xf32>
      %exp3A = math.exp %neg3A_190 : vector<16xf32>
      %add3A_191 = arith.constant 1.000000e+00 : f32
      %add3A_192 = vector.broadcast %add3A_191 : f32 to vector<16xf32>
      %add3A_193 = arith.addf %add3A_192, %exp3A : vector<16xf32>
      %div3A = arith.constant 1.000000e+00 : f32
      %div3A_194 = vector.broadcast %div3A : f32 to vector<16xf32>
      %div3A_195 = arith.divf %div3A_194, %add3A_193 : vector<16xf32>
      %swap3A = arith.index_cast %add3A_186 : i32 to index
      %swap3A_196 = tpu.vector_load %arg9[%swap3A] {strides = array<i32>} : memref<12800xf32, #tpu.memory_space<vmem>>, vector<16xf32>,
      %swap3A_197 = vector.shape_cast %swap3A_196 : vector<16xf32> to vector<16xf32>
      %swap3A_198 = vector.shape_cast %div3A_195 : vector<16xf32> to vector<16xf32>
      tpu.vector_store %arg9[%swap3A], %swap3A_198 {strides = array<i32>} : memref<12800xf32, #tpu.memory_space<vmem>>, vector<16xf32>,
      %add3A_199 = arith.constant 16 : i32
      %add3A_200 = arith.addi %mul3A_184, %add3A_199 : i32
      %get3A_201 = arith.index_cast %add3A_200 : i32 to index
      %get3A_202 = tpu.vector_load %arg9[%get3A_201] {strides = array<i32>} : memref<12800xf32, #tpu.memory_space<vmem>>, vector<16xf32>,
      %get3A_203 = vector.shape_cast %get3A_202 : vector<16xf32> to vector<16xf32>
      %neg3A_204 = arith.constant 0.000000e+00 : f32
      %neg3A_205 = vector.broadcast %neg3A_204 : f32 to vector<16xf32>
      %neg3A_206 = arith.subf %neg3A_205, %get3A_203 : vector<16xf32>
      %exp3A_207 = math.exp %neg3A_206 : vector<16xf32>
      %add3A_208 = arith.constant 1.000000e+00 : f32
      %add3A_209 = vector.broadcast %add3A_208 : f32 to vector<16xf32>
      %add3A_210 = arith.addf %add3A_209, %exp3A_207 : vector<16xf32>
      %div3A_211 = arith.constant 1.000000e+00 : f32
      %div3A_212 = vector.broadcast %div3A_211 : f32 to vector<16xf32>
      %div3A_213 = arith.divf %div3A_212, %add3A_210 : vector<16xf32>
      %swap3A_214 = arith.index_cast %add3A_200 : i32 to index
      %swap3A_215 = tpu.vector_load %arg9[%swap3A_214] {strides = array<i32>} : memref<12800xf32, #tpu.memory_space<vmem>>, vector<16xf32>,
      %swap3A_216 = vector.shape_cast %swap3A_215 : vector<16xf32> to vector<16xf32>
      %swap3A_217 = vector.shape_cast %div3A_213 : vector<16xf32> to vector<16xf32>
      tpu.vector_store %arg9[%swap3A_214], %swap3A_217 {strides = array<i32>} : memref<12800xf32, #tpu.memory_space<vmem>>, vector<16xf32>,
      %add3A_218 = arith.constant 32 : i32
      %add3A_219 = arith.addi %mul3A_184, %add3A_218 : i32
      %get3A_220 = arith.index_cast %add3A_219 : i32 to index
      %get3A_221 = tpu.vector_load %arg9[%get3A_220] {strides = array<i32>} : memref<12800xf32, #tpu.memory_space<vmem>>, vector<16xf32>,
      %get3A_222 = vector.shape_cast %get3A_221 : vector<16xf32> to vector<16xf32>
      %neg3A_223 = arith.constant 0.000000e+00 : f32
      %neg3A_224 = vector.broadcast %neg3A_223 : f32 to vector<16xf32>
      %neg3A_225 = arith.subf %neg3A_224, %get3A_222 : vector<16xf32>
      %exp3A_226 = math.exp %neg3A_225 : vector<16xf32>
      %add3A_227 = arith.constant 1.000000e+00 : f32
      %add3A_228 = vector.broadcast %add3A_227 : f32 to vector<16xf32>
      %add3A_229 = arith.addf %add3A_228, %exp3A_226 : vector<16xf32>
      %div3A_230 = arith.constant 1.000000e+00 : f32
      %div3A_231 = vector.broadcast %div3A_230 : f32 to vector<16xf32>
      %div3A_232 = arith.divf %div3A_231, %add3A_229 : vector<16xf32>
      %swap3A_233 = arith.index_cast %add3A_219 : i32 to index
      %swap3A_234 = tpu.vector_load %arg9[%swap3A_233] {strides = array<i32>} : memref<12800xf32, #tpu.memory_space<vmem>>, vector<16xf32>,
      %swap3A_235 = vector.shape_cast %swap3A_234 : vector<16xf32> to vector<16xf32>
      %swap3A_236 = vector.shape_cast %div3A_232 : vector<16xf32> to vector<16xf32>
      tpu.vector_store %arg9[%swap3A_233], %swap3A_236 {strides = array<i32>} : memref<12800xf32, #tpu.memory_space<vmem>>, vector<16xf32>,
      %add3A_237 = arith.constant 48 : i32
      %add3A_238 = arith.addi %mul3A_184, %add3A_237 : i32
      %get3A_239 = arith.index_cast %add3A_238 : i32 to index
      %get3A_240 = tpu.vector_load %arg9[%get3A_239] {strides = array<i32>} : memref<12800xf32, #tpu.memory_space<vmem>>, vector<16xf32>,
      %get3A_241 = vector.shape_cast %get3A_240 : vector<16xf32> to vector<16xf32>
      %neg3A_242 = arith.constant 0.000000e+00 : f32
      %neg3A_243 = vector.broadcast %neg3A_242 : f32 to vector<16xf32>
      %neg3A_244 = arith.subf %neg3A_243, %get3A_241 : vector<16xf32>
      %exp3A_245 = math.exp %neg3A_244 : vector<16xf32>
      %add3A_246 = arith.constant 1.000000e+00 : f32
      %add3A_247 = vector.broadcast %add3A_246 : f32 to vector<16xf32>
      %add3A_248 = arith.addf %add3A_247, %exp3A_245 : vector<16xf32>
      %div3A_249 = arith.constant 1.000000e+00 : f32
      %div3A_250 = vector.broadcast %div3A_249 : f32 to vector<16xf32>
      %div3A_251 = arith.divf %div3A_250, %add3A_248 : vector<16xf32>
      %swap3A_252 = arith.index_cast %add3A_238 : i32 to index
      %swap3A_253 = tpu.vector_load %arg9[%swap3A_252] {strides = array<i32>} : memref<12800xf32, #tpu.memory_space<vmem>>, vector<16xf32>,
      %swap3A_254 = vector.shape_cast %swap3A_253 : vector<16xf32> to vector<16xf32>
      %swap3A_255 = vector.shape_cast %div3A_251 : vector<16xf32> to vector<16xf32>
      tpu.vector_store %arg9[%swap3A_252], %swap3A_255 {strides = array<i32>} : memref<12800xf32, #tpu.memory_space<vmem>>, vector<16xf32>,
    }
    %scan3A_161 = arith.constant 200 : i32
    "tpu.region"() ({
      %run_scoped3A = tpu.sem_alloc : memref<!tpu.dma_semaphore, #tpu.memory_space<semaphore_mem>>
      %dma_start3A_182 = tpu.memref_slice %arg4[%add3A_139] : memref<3276800xf32, #tpu.memory_space<hbm>> -> memref<12800xf32, #tpu.memory_space<hbm>>
      %dma_start3A_183 = tpu.memref_slice %arg4[%add3A_139] : memref<3276800xf32, #tpu.memory_space<hbm>> -> memref<12800xf32, #tpu.memory_space<hbm>>
      tpu.enqueue_dma source(%arg9 : memref<12800xf32, #tpu.memory_space<vmem>>) target(%dma_start3A_183 : memref<12800xf32, #tpu.memory_space<hbm>>) target_semaphore(%run_scoped3A : memref<!tpu.dma_semaphore, #tpu.memory_space<semaphore_mem>>)
      %dma_wait3A_184 = tpu.memref_slice %arg4[%add3A_139] : memref<3276800xf32, #tpu.memory_space<hbm>> -> memref<12800xf32, #tpu.memory_space<hbm>>
      %dma_wait3A_185 = tpu.memref_slice %arg4[%add3A_139] : memref<3276800xf32, #tpu.memory_space<hbm>> -> memref<12800xf32, #tpu.memory_space<hbm>>
      tpu.wait_dma2 semaphore(%run_scoped3A : memref<!tpu.dma_semaphore, #tpu.memory_space<semaphore_mem>>) src(%arg9 : memref<12800xf32, #tpu.memory_space<vmem>>) dst(%dma_wait3A_185 : memref<12800xf32, #tpu.memory_space<hbm>>)
      tpu.yield
    }) : () -> ()
    %add3A_162 = arith.constant 89600 : i32
    %add3A_163 = arith.addi %mul3A_70, %add3A_162 : i32
    "tpu.region"() ({
      %run_scoped3A = tpu.sem_alloc : memref<!tpu.dma_semaphore, #tpu.memory_space<semaphore_mem>>
      %dma_start3A_182 = tpu.memref_slice %arg2[%add3A_163] : memref<3276800xi32, #tpu.memory_space<hbm>> -> memref<12800xi32, #tpu.memory_space<hbm>>
      %dma_start3A_183 = tpu.memref_slice %arg2[%add3A_163] : memref<3276800xi32, #tpu.memory_space<hbm>> -> memref<12800xi32, #tpu.memory_space<hbm>>
      tpu.enqueue_dma source(%dma_start3A_183 : memref<12800xi32, #tpu.memory_space<hbm>>) target(%arg7 : memref<12800xi32, #tpu.memory_space<vmem>>) target_semaphore(%run_scoped3A : memref<!tpu.dma_semaphore, #tpu.memory_space<semaphore_mem>>)
      %dma_wait3A_184 = tpu.memref_slice %arg2[%add3A_163] : memref<3276800xi32, #tpu.memory_space<hbm>> -> memref<12800xi32, #tpu.memory_space<hbm>>
      %dma_wait3A_185 = tpu.memref_slice %arg2[%add3A_163] : memref<3276800xi32, #tpu.memory_space<hbm>> -> memref<12800xi32, #tpu.memory_space<hbm>>
      tpu.wait_dma2 semaphore(%run_scoped3A : memref<!tpu.dma_semaphore, #tpu.memory_space<semaphore_mem>>) src(%dma_wait3A_185 : memref<12800xi32, #tpu.memory_space<hbm>>) dst(%arg7 : memref<12800xi32, #tpu.memory_space<vmem>>)
      tpu.yield
    }) : () -> ()
    %dma_start3A_164 = arith.constant 0 : i32
    %dma_start3A_165 = tpu.memref_slice %arg5[%dma_start3A_164] : memref<1000000xf32, #tpu.memory_space<vmem_shared>> -> memref<1000000xf32, #tpu.memory_space<vmem_shared>>
    tpu.enqueue_indirect_dma source(%dma_start3A_165 : memref<1000000xf32, #tpu.memory_space<vmem_shared>>) target(%arg9 : memref<12800xf32, #tpu.memory_space<vmem>>) offsets(%arg7 : memref<12800xi32, #tpu.memory_space<vmem>>) semaphore(%arg12 : memref<!tpu.dma_semaphore, #tpu.memory_space<semaphore_mem>>)
    %dma_wait3A_166 = arith.constant 0 : i32
    %dma_wait3A_167 = tpu.memref_slice %arg5[%dma_wait3A_166] : memref<1000000xf32, #tpu.memory_space<vmem_shared>> -> memref<1000000xf32, #tpu.memory_space<vmem_shared>>
    tpu.wait_indirect_dma semaphore(%arg11 : memref<!tpu.dma_semaphore, #tpu.memory_space<semaphore_mem>>) src(%dma_wait3A_167 : memref<1000000xf32, #tpu.memory_space<vmem_shared>>) dst(%arg8 : memref<12800xf32, #tpu.memory_space<vmem>>)
    %scan3A_168 = arith.constant 0 : i32
    %scan3A_169 = arith.constant 0 : i32
    %scan3A_170 = arith.constant 200 : i32
    %scan3A_171 = arith.addi %scan3A_169, %scan3A_170 : i32
    %scan3A_172 = arith.constant 1 : i32
    scf.for %scan3A_182 = %scan3A_169 to %scan3A_171 step %scan3A_172  : i32 {
      %mul3A_183 = arith.constant 64 : i32
      %mul3A_184 = arith.muli %scan3A_182, %mul3A_183 : i32
      %add3A_185 = arith.constant 0 : i32
      %add3A_186 = arith.addi %mul3A_184, %add3A_185 : i32
      %get3A = arith.index_cast %add3A_186 : i32 to index
      %get3A_187 = tpu.vector_load %arg8[%get3A] {strides = array<i32>} : memref<12800xf32, #tpu.memory_space<vmem>>, vector<16xf32>,
      %get3A_188 = vector.shape_cast %get3A_187 : vector<16xf32> to vector<16xf32>
      %neg3A = arith.constant 0.000000e+00 : f32
      %neg3A_189 = vector.broadcast %neg3A : f32 to vector<16xf32>
      %neg3A_190 = arith.subf %neg3A_189, %get3A_188 : vector<16xf32>
      %exp3A = math.exp %neg3A_190 : vector<16xf32>
      %add3A_191 = arith.constant 1.000000e+00 : f32
      %add3A_192 = vector.broadcast %add3A_191 : f32 to vector<16xf32>
      %add3A_193 = arith.addf %add3A_192, %exp3A : vector<16xf32>
      %div3A = arith.constant 1.000000e+00 : f32
      %div3A_194 = vector.broadcast %div3A : f32 to vector<16xf32>
      %div3A_195 = arith.divf %div3A_194, %add3A_193 : vector<16xf32>
      %swap3A = arith.index_cast %add3A_186 : i32 to index
      %swap3A_196 = tpu.vector_load %arg8[%swap3A] {strides = array<i32>} : memref<12800xf32, #tpu.memory_space<vmem>>, vector<16xf32>,
      %swap3A_197 = vector.shape_cast %swap3A_196 : vector<16xf32> to vector<16xf32>
      %swap3A_198 = vector.shape_cast %div3A_195 : vector<16xf32> to vector<16xf32>
      tpu.vector_store %arg8[%swap3A], %swap3A_198 {strides = array<i32>} : memref<12800xf32, #tpu.memory_space<vmem>>, vector<16xf32>,
      %add3A_199 = arith.constant 16 : i32
      %add3A_200 = arith.addi %mul3A_184, %add3A_199 : i32
      %get3A_201 = arith.index_cast %add3A_200 : i32 to index
      %get3A_202 = tpu.vector_load %arg8[%get3A_201] {strides = array<i32>} : memref<12800xf32, #tpu.memory_space<vmem>>, vector<16xf32>,
      %get3A_203 = vector.shape_cast %get3A_202 : vector<16xf32> to vector<16xf32>
      %neg3A_204 = arith.constant 0.000000e+00 : f32
      %neg3A_205 = vector.broadcast %neg3A_204 : f32 to vector<16xf32>
      %neg3A_206 = arith.subf %neg3A_205, %get3A_203 : vector<16xf32>
      %exp3A_207 = math.exp %neg3A_206 : vector<16xf32>
      %add3A_208 = arith.constant 1.000000e+00 : f32
      %add3A_209 = vector.broadcast %add3A_208 : f32 to vector<16xf32>
      %add3A_210 = arith.addf %add3A_209, %exp3A_207 : vector<16xf32>
      %div3A_211 = arith.constant 1.000000e+00 : f32
      %div3A_212 = vector.broadcast %div3A_211 : f32 to vector<16xf32>
      %div3A_213 = arith.divf %div3A_212, %add3A_210 : vector<16xf32>
      %swap3A_214 = arith.index_cast %add3A_200 : i32 to index
      %swap3A_215 = tpu.vector_load %arg8[%swap3A_214] {strides = array<i32>} : memref<12800xf32, #tpu.memory_space<vmem>>, vector<16xf32>,
      %swap3A_216 = vector.shape_cast %swap3A_215 : vector<16xf32> to vector<16xf32>
      %swap3A_217 = vector.shape_cast %div3A_213 : vector<16xf32> to vector<16xf32>
      tpu.vector_store %arg8[%swap3A_214], %swap3A_217 {strides = array<i32>} : memref<12800xf32, #tpu.memory_space<vmem>>, vector<16xf32>,
      %add3A_218 = arith.constant 32 : i32
      %add3A_219 = arith.addi %mul3A_184, %add3A_218 : i32
      %get3A_220 = arith.index_cast %add3A_219 : i32 to index
      %get3A_221 = tpu.vector_load %arg8[%get3A_220] {strides = array<i32>} : memref<12800xf32, #tpu.memory_space<vmem>>, vector<16xf32>,
      %get3A_222 = vector.shape_cast %get3A_221 : vector<16xf32> to vector<16xf32>
      %neg3A_223 = arith.constant 0.000000e+00 : f32
      %neg3A_224 = vector.broadcast %neg3A_223 : f32 to vector<16xf32>
      %neg3A_225 = arith.subf %neg3A_224, %get3A_222 : vector<16xf32>
      %exp3A_226 = math.exp %neg3A_225 : vector<16xf32>
      %add3A_227 = arith.constant 1.000000e+00 : f32
      %add3A_228 = vector.broadcast %add3A_227 : f32 to vector<16xf32>
      %add3A_229 = arith.addf %add3A_228, %exp3A_226 : vector<16xf32>
      %div3A_230 = arith.constant 1.000000e+00 : f32
      %div3A_231 = vector.broadcast %div3A_230 : f32 to vector<16xf32>
      %div3A_232 = arith.divf %div3A_231, %add3A_229 : vector<16xf32>
      %swap3A_233 = arith.index_cast %add3A_219 : i32 to index
      %swap3A_234 = tpu.vector_load %arg8[%swap3A_233] {strides = array<i32>} : memref<12800xf32, #tpu.memory_space<vmem>>, vector<16xf32>,
      %swap3A_235 = vector.shape_cast %swap3A_234 : vector<16xf32> to vector<16xf32>
      %swap3A_236 = vector.shape_cast %div3A_232 : vector<16xf32> to vector<16xf32>
      tpu.vector_store %arg8[%swap3A_233], %swap3A_236 {strides = array<i32>} : memref<12800xf32, #tpu.memory_space<vmem>>, vector<16xf32>,
      %add3A_237 = arith.constant 48 : i32
      %add3A_238 = arith.addi %mul3A_184, %add3A_237 : i32
      %get3A_239 = arith.index_cast %add3A_238 : i32 to index
      %get3A_240 = tpu.vector_load %arg8[%get3A_239] {strides = array<i32>} : memref<12800xf32, #tpu.memory_space<vmem>>, vector<16xf32>,
      %get3A_241 = vector.shape_cast %get3A_240 : vector<16xf32> to vector<16xf32>
      %neg3A_242 = arith.constant 0.000000e+00 : f32
      %neg3A_243 = vector.broadcast %neg3A_242 : f32 to vector<16xf32>
      %neg3A_244 = arith.subf %neg3A_243, %get3A_241 : vector<16xf32>
      %exp3A_245 = math.exp %neg3A_244 : vector<16xf32>
      %add3A_246 = arith.constant 1.000000e+00 : f32
      %add3A_247 = vector.broadcast %add3A_246 : f32 to vector<16xf32>
      %add3A_248 = arith.addf %add3A_247, %exp3A_245 : vector<16xf32>
      %div3A_249 = arith.constant 1.000000e+00 : f32
      %div3A_250 = vector.broadcast %div3A_249 : f32 to vector<16xf32>
      %div3A_251 = arith.divf %div3A_250, %add3A_248 : vector<16xf32>
      %swap3A_252 = arith.index_cast %add3A_238 : i32 to index
      %swap3A_253 = tpu.vector_load %arg8[%swap3A_252] {strides = array<i32>} : memref<12800xf32, #tpu.memory_space<vmem>>, vector<16xf32>,
      %swap3A_254 = vector.shape_cast %swap3A_253 : vector<16xf32> to vector<16xf32>
      %swap3A_255 = vector.shape_cast %div3A_251 : vector<16xf32> to vector<16xf32>
      tpu.vector_store %arg8[%swap3A_252], %swap3A_255 {strides = array<i32>} : memref<12800xf32, #tpu.memory_space<vmem>>, vector<16xf32>,
    }
    %scan3A_173 = arith.constant 200 : i32
    "tpu.region"() ({
      %run_scoped3A = tpu.sem_alloc : memref<!tpu.dma_semaphore, #tpu.memory_space<semaphore_mem>>
      %dma_start3A_182 = tpu.memref_slice %arg4[%add3A_151] : memref<3276800xf32, #tpu.memory_space<hbm>> -> memref<12800xf32, #tpu.memory_space<hbm>>
      %dma_start3A_183 = tpu.memref_slice %arg4[%add3A_151] : memref<3276800xf32, #tpu.memory_space<hbm>> -> memref<12800xf32, #tpu.memory_space<hbm>>
      tpu.enqueue_dma source(%arg8 : memref<12800xf32, #tpu.memory_space<vmem>>) target(%dma_start3A_183 : memref<12800xf32, #tpu.memory_space<hbm>>) target_semaphore(%run_scoped3A : memref<!tpu.dma_semaphore, #tpu.memory_space<semaphore_mem>>)
      %dma_wait3A_184 = tpu.memref_slice %arg4[%add3A_151] : memref<3276800xf32, #tpu.memory_space<hbm>> -> memref<12800xf32, #tpu.memory_space<hbm>>
      %dma_wait3A_185 = tpu.memref_slice %arg4[%add3A_151] : memref<3276800xf32, #tpu.memory_space<hbm>> -> memref<12800xf32, #tpu.memory_space<hbm>>
      tpu.wait_dma2 semaphore(%run_scoped3A : memref<!tpu.dma_semaphore, #tpu.memory_space<semaphore_mem>>) src(%arg8 : memref<12800xf32, #tpu.memory_space<vmem>>) dst(%dma_wait3A_185 : memref<12800xf32, #tpu.memory_space<hbm>>)
      tpu.yield
    }) : () -> ()
    %dma_wait3A_174 = arith.constant 0 : i32
    %dma_wait3A_175 = tpu.memref_slice %arg5[%dma_wait3A_174] : memref<1000000xf32, #tpu.memory_space<vmem_shared>> -> memref<1000000xf32, #tpu.memory_space<vmem_shared>>
    tpu.wait_indirect_dma semaphore(%arg12 : memref<!tpu.dma_semaphore, #tpu.memory_space<semaphore_mem>>) src(%dma_wait3A_175 : memref<1000000xf32, #tpu.memory_space<vmem_shared>>) dst(%arg9 : memref<12800xf32, #tpu.memory_space<vmem>>)
    %scan3A_176 = arith.constant 0 : i32
    %scan3A_177 = arith.constant 0 : i32
    %scan3A_178 = arith.constant 200 : i32
    %scan3A_179 = arith.addi %scan3A_177, %scan3A_178 : i32
    %scan3A_180 = arith.constant 1 : i32
    scf.for %scan3A_182 = %scan3A_177 to %scan3A_179 step %scan3A_180  : i32 {
      %mul3A_183 = arith.constant 64 : i32
      %mul3A_184 = arith.muli %scan3A_182, %mul3A_183 : i32
      %add3A_185 = arith.constant 0 : i32
      %add3A_186 = arith.addi %mul3A_184, %add3A_185 : i32
      %get3A = arith.index_cast %add3A_186 : i32 to index
      %get3A_187 = tpu.vector_load %arg9[%get3A] {strides = array<i32>} : memref<12800xf32, #tpu.memory_space<vmem>>, vector<16xf32>,
      %get3A_188 = vector.shape_cast %get3A_187 : vector<16xf32> to vector<16xf32>
      %neg3A = arith.constant 0.000000e+00 : f32
      %neg3A_189 = vector.broadcast %neg3A : f32 to vector<16xf32>
      %neg3A_190 = arith.subf %neg3A_189, %get3A_188 : vector<16xf32>
      %exp3A = math.exp %neg3A_190 : vector<16xf32>
      %add3A_191 = arith.constant 1.000000e+00 : f32
      %add3A_192 = vector.broadcast %add3A_191 : f32 to vector<16xf32>
      %add3A_193 = arith.addf %add3A_192, %exp3A : vector<16xf32>
      %div3A = arith.constant 1.000000e+00 : f32
      %div3A_194 = vector.broadcast %div3A : f32 to vector<16xf32>
      %div3A_195 = arith.divf %div3A_194, %add3A_193 : vector<16xf32>
      %swap3A = arith.index_cast %add3A_186 : i32 to index
      %swap3A_196 = tpu.vector_load %arg9[%swap3A] {strides = array<i32>} : memref<12800xf32, #tpu.memory_space<vmem>>, vector<16xf32>,
      %swap3A_197 = vector.shape_cast %swap3A_196 : vector<16xf32> to vector<16xf32>
      %swap3A_198 = vector.shape_cast %div3A_195 : vector<16xf32> to vector<16xf32>
      tpu.vector_store %arg9[%swap3A], %swap3A_198 {strides = array<i32>} : memref<12800xf32, #tpu.memory_space<vmem>>, vector<16xf32>,
      %add3A_199 = arith.constant 16 : i32
      %add3A_200 = arith.addi %mul3A_184, %add3A_199 : i32
      %get3A_201 = arith.index_cast %add3A_200 : i32 to index
      %get3A_202 = tpu.vector_load %arg9[%get3A_201] {strides = array<i32>} : memref<12800xf32, #tpu.memory_space<vmem>>, vector<16xf32>,
      %get3A_203 = vector.shape_cast %get3A_202 : vector<16xf32> to vector<16xf32>
      %neg3A_204 = arith.constant 0.000000e+00 : f32
      %neg3A_205 = vector.broadcast %neg3A_204 : f32 to vector<16xf32>
      %neg3A_206 = arith.subf %neg3A_205, %get3A_203 : vector<16xf32>
      %exp3A_207 = math.exp %neg3A_206 : vector<16xf32>
      %add3A_208 = arith.constant 1.000000e+00 : f32
      %add3A_209 = vector.broadcast %add3A_208 : f32 to vector<16xf32>
      %add3A_210 = arith.addf %add3A_209, %exp3A_207 : vector<16xf32>
      %div3A_211 = arith.constant 1.000000e+00 : f32
      %div3A_212 = vector.broadcast %div3A_211 : f32 to vector<16xf32>
      %div3A_213 = arith.divf %div3A_212, %add3A_210 : vector<16xf32>
      %swap3A_214 = arith.index_cast %add3A_200 : i32 to index
      %swap3A_215 = tpu.vector_load %arg9[%swap3A_214] {strides = array<i32>} : memref<12800xf32, #tpu.memory_space<vmem>>, vector<16xf32>,
      %swap3A_216 = vector.shape_cast %swap3A_215 : vector<16xf32> to vector<16xf32>
      %swap3A_217 = vector.shape_cast %div3A_213 : vector<16xf32> to vector<16xf32>
      tpu.vector_store %arg9[%swap3A_214], %swap3A_217 {strides = array<i32>} : memref<12800xf32, #tpu.memory_space<vmem>>, vector<16xf32>,
      %add3A_218 = arith.constant 32 : i32
      %add3A_219 = arith.addi %mul3A_184, %add3A_218 : i32
      %get3A_220 = arith.index_cast %add3A_219 : i32 to index
      %get3A_221 = tpu.vector_load %arg9[%get3A_220] {strides = array<i32>} : memref<12800xf32, #tpu.memory_space<vmem>>, vector<16xf32>,
      %get3A_222 = vector.shape_cast %get3A_221 : vector<16xf32> to vector<16xf32>
      %neg3A_223 = arith.constant 0.000000e+00 : f32
      %neg3A_224 = vector.broadcast %neg3A_223 : f32 to vector<16xf32>
      %neg3A_225 = arith.subf %neg3A_224, %get3A_222 : vector<16xf32>
      %exp3A_226 = math.exp %neg3A_225 : vector<16xf32>
      %add3A_227 = arith.constant 1.000000e+00 : f32
      %add3A_228 = vector.broadcast %add3A_227 : f32 to vector<16xf32>
      %add3A_229 = arith.addf %add3A_228, %exp3A_226 : vector<16xf32>
      %div3A_230 = arith.constant 1.000000e+00 : f32
      %div3A_231 = vector.broadcast %div3A_230 : f32 to vector<16xf32>
      %div3A_232 = arith.divf %div3A_231, %add3A_229 : vector<16xf32>
      %swap3A_233 = arith.index_cast %add3A_219 : i32 to index
      %swap3A_234 = tpu.vector_load %arg9[%swap3A_233] {strides = array<i32>} : memref<12800xf32, #tpu.memory_space<vmem>>, vector<16xf32>,
      %swap3A_235 = vector.shape_cast %swap3A_234 : vector<16xf32> to vector<16xf32>
      %swap3A_236 = vector.shape_cast %div3A_232 : vector<16xf32> to vector<16xf32>
      tpu.vector_store %arg9[%swap3A_233], %swap3A_236 {strides = array<i32>} : memref<12800xf32, #tpu.memory_space<vmem>>, vector<16xf32>,
      %add3A_237 = arith.constant 48 : i32
      %add3A_238 = arith.addi %mul3A_184, %add3A_237 : i32
      %get3A_239 = arith.index_cast %add3A_238 : i32 to index
      %get3A_240 = tpu.vector_load %arg9[%get3A_239] {strides = array<i32>} : memref<12800xf32, #tpu.memory_space<vmem>>, vector<16xf32>,
      %get3A_241 = vector.shape_cast %get3A_240 : vector<16xf32> to vector<16xf32>
      %neg3A_242 = arith.constant 0.000000e+00 : f32
      %neg3A_243 = vector.broadcast %neg3A_242 : f32 to vector<16xf32>
      %neg3A_244 = arith.subf %neg3A_243, %get3A_241 : vector<16xf32>
      %exp3A_245 = math.exp %neg3A_244 : vector<16xf32>
      %add3A_246 = arith.constant 1.000000e+00 : f32
      %add3A_247 = vector.broadcast %add3A_246 : f32 to vector<16xf32>
      %add3A_248 = arith.addf %add3A_247, %exp3A_245 : vector<16xf32>
      %div3A_249 = arith.constant 1.000000e+00 : f32
      %div3A_250 = vector.broadcast %div3A_249 : f32 to vector<16xf32>
      %div3A_251 = arith.divf %div3A_250, %add3A_248 : vector<16xf32>
      %swap3A_252 = arith.index_cast %add3A_238 : i32 to index
      %swap3A_253 = tpu.vector_load %arg9[%swap3A_252] {strides = array<i32>} : memref<12800xf32, #tpu.memory_space<vmem>>, vector<16xf32>,
      %swap3A_254 = vector.shape_cast %swap3A_253 : vector<16xf32> to vector<16xf32>
      %swap3A_255 = vector.shape_cast %div3A_251 : vector<16xf32> to vector<16xf32>
      tpu.vector_store %arg9[%swap3A_252], %swap3A_255 {strides = array<i32>} : memref<12800xf32, #tpu.memory_space<vmem>>, vector<16xf32>,
    }
    %scan3A_181 = arith.constant 200 : i32
    "tpu.region"() ({
      %run_scoped3A = tpu.sem_alloc : memref<!tpu.dma_semaphore, #tpu.memory_space<semaphore_mem>>
      %dma_start3A_182 = tpu.memref_slice %arg4[%add3A_163] : memref<3276800xf32, #tpu.memory_space<hbm>> -> memref<12800xf32, #tpu.memory_space<hbm>>
      %dma_start3A_183 = tpu.memref_slice %arg4[%add3A_163] : memref<3276800xf32, #tpu.memory_space<hbm>> -> memref<12800xf32, #tpu.memory_space<hbm>>
      tpu.enqueue_dma source(%arg9 : memref<12800xf32, #tpu.memory_space<vmem>>) target(%dma_start3A_183 : memref<12800xf32, #tpu.memory_space<hbm>>) target_semaphore(%run_scoped3A : memref<!tpu.dma_semaphore, #tpu.memory_space<semaphore_mem>>)
      %dma_wait3A_184 = tpu.memref_slice %arg4[%add3A_163] : memref<3276800xf32, #tpu.memory_space<hbm>> -> memref<12800xf32, #tpu.memory_space<hbm>>
      %dma_wait3A_185 = tpu.memref_slice %arg4[%add3A_163] : memref<3276800xf32, #tpu.memory_space<hbm>> -> memref<12800xf32, #tpu.memory_space<hbm>>
      tpu.wait_dma2 semaphore(%run_scoped3A : memref<!tpu.dma_semaphore, #tpu.memory_space<semaphore_mem>>) src(%arg9 : memref<12800xf32, #tpu.memory_space<vmem>>) dst(%dma_wait3A_185 : memref<12800xf32, #tpu.memory_space<hbm>>)
      tpu.yield
    }) : () -> ()
    return
  }
}

</mosaic_0001>

<sc_bundles>
// kernel: kernel.3.cloned.1.call-start
scs
__scs_entry_jumppad:
0x0: {  	(pc) =	sbr.rel $0x88, $3  }
0x1: {  	(tag) =	ssettag $0x0;
	lr =	simm.s32 $0x1  }
0x2: {  	[smem:$0x3F9F] =	sst lr;
	_ =	strace $0xD0000000  }
0x3: {  	_ = 	snop  }
0x4: {  	_ = 	snop  }
0x5: {  	_ = 	snop  }
0x6: {  	_ = 	snop  }
0x7: {  	_ = 	snop  }
__scs_overlays_trampoline_lowered:
0x8: {  	[smem:$0x3FAE] =	sst s0  }
0x9: {  	[smem:$0x3FAF] =	sst s1  }
0xa: {  	[smem:$0x3FB0] =	sst s2  }
0xb: {  	[smem:$0x3FB1] =	sst s3  }
0xc: {  	[smem:$0x3FB2] =	sst s4  }
0xd: {  	[smem:$0x3FB3] =	sst s5  }
0xe: {  	[smem:$0x3FB4] =	sst s6  }
0xf: {  	[smem:$0x3FB5] =	sst s7  }
0x10: {  	[smem:$0x3FB6] =	sst s8  }
0x11: {  	[smem:$0x3FB7] =	sst s9;
	s0 =	simm.s32 @!p0 $0x0  }
0x12: {  	s1 =	sld [smem:$0x3F9D];
	s0 =	simm.s32 @p0 $0x1  }
0x13: {  	[smem:$0x3FB8] =	sst s0;
	s0 =	simm.s32 @!p1 $0x0  }
0x14: {  	s2 =	sld [smem:$0x3F9C];
	s0 =	simm.s32 @p1 $0x1  }
0x15: {  	[smem:$0x3FB9] =	sst s0;
	s0 =	simm.s32 @!p2 $0x0  }
0x16: {  	s3 =	sld [smem:$0x3FDB];
	s0 =	simm.s32 @p2 $0x1  }
0x17: {  	s4 =	simm.s32 $0x1BF5;
	[smem:$0x3FBB] =	sst s0  }
0x18: {  	s0 =	sld [smem:$0x3F9E];
	_ =	swait.ge [sflag:s4], $0x0  }
0x19: {  	s7 =	sld [smem:$0x3F9F]  }
0x1a: {  	s8 =	sadd.s32 $0xFFFFE003, lr  }
0x1b: {  	s9 =	sadd.s32 $0xFFFFFEF7, lr;
	s5 =	simm.s32 $0xFFFFFFFF;
	p2 =	slt.u32 s8, $0xFFFFF086  }
0x1c: {  	p1 =	slt.u32 s9, $0xF7A;
	s5 =	simm.s32 @!p2 $0x0  }
0x1d: {  	s5 =	simm.s32 @p1 $0x1;
	p0 =	seq.s32 s7, s2  }
0x1e: {  	s7 =	smul.u32 @!p0 $0xF7A, s2;
	p2 =	seq.s32 @!p0 s5, $0x0  }
0x1f: {  	s9 =	smul.u32 $0xF7A, s1;
	s8 =	simm.s32 @!p0 $0x1BF5;
	p2 =	por !p2, p0  }
0x20: {  	[sflag:s8] =	ssyncset.s32 @!p0 $0xFFFFF086;
	s6 =	sadd.s32 @!p0 s3, s7;
	s7 =	simm.s32 @!p0 $0x108  }
0x21: {  	s3 =	sadd.s32 s3, s9;
	s6 =	sadd.s32 @!p0 $0x88, s6;
	s7 =	simm.s32 @p2 $0x1082  }
0x22: {  	[simem:s7], [sflag:s8] =	dma.local @!p0 [hbm:s6], $0xF7A  }
0x23: {  	s9 =	sor.u32 $0xD0000000, s2;
	s6 =	simm.s32 $0x108;
	_ =	swait.ge @!p0 [sflag:s8], $0x0  }
0x24: {  	s3 =	sadd.s32 $0x88, s3;
	s6 =	simm.s32 @!p1 $0x1082;
	[sflag:s4] =	ssyncset.s32 $0xFFFFF086  }
0x25: {  	[simem:s6], [sflag:s4] =	dma.local [hbm:s3], $0xF7A  }
0x26: {  	[smem:$0x3F9F] =	sst s1;
	(tag) =	ssettag s2;
	_ =	strace s9  }
0x27: {  	s1 =	sld [smem:$0x3FAF]  }
0x28: {  	s2 =	sld [smem:$0x3FB0]  }
0x29: {  	s4 =	sld [smem:$0x3FB2]  }
0x2a: {  	p0 =	seq.s32 s5, $0x0;
	s5 =	sld [smem:$0x3FB3]  }
0x2b: {  	s6 =	sld [smem:$0x3FB4]  }
0x2c: {  	s7 =	sld [smem:$0x3FB5]  }
0x2d: {  	s3 =	simm.s32 $0x108;
	s8 =	sld [smem:$0x3FB6]  }
0x2e: {  	s3 =	simm.s32 @!p0 $0x1082;
	s9 =	sld [smem:$0x3FB7]  }
0x2f: {  	lr =	sadd.s32 s0, s3;
	s0 =	sld [smem:$0x3FAE]  }
0x30: {  	s3 =	sld [smem:$0x3FB1]  }
0x31: {  	[smem:$0x3FBA] =	sst s10  }
0x32: {  	s10 =	sld [smem:$0x3FB8];
	_ =	sdelay $0x3  }
0x33: {  	p0 =	seq.s32 s10, $0x1;
	s10 =	sld [smem:$0x3FBA];
	_ =	sdelay $0x3  }
0x34: {  	[smem:$0x3FBA] =	sst s10  }
0x35: {  	s10 =	sld [smem:$0x3FB9];
	_ =	sdelay $0x3  }
0x36: {  	p1 =	seq.s32 s10, $0x1;
	s10 =	sld [smem:$0x3FBA];
	_ =	sdelay $0x3  }
0x37: {  	[smem:$0x3FBA] =	sst s10  }
0x38: {  	s10 =	sld [smem:$0x3FBB]  }
0x39: {  	_ = 	snop;
	(pc) =	sbr.ind lr, $3  }
0x3a: {  	_ = 	snop  }
0x3b: {  	_ = 	snop  }
0x3c: {  	p2 =	seq.s32 s10, $0x1;
	s10 =	sld [smem:$0x3FBA]  }
0x3d: {  	_ =	shalt  }
0x3e: {  	_ =	shalt  }
0x3f: {  	_ =	shalt  }
0x40: {  	_ =	shalt  }
0x41: {  	_ =	shalt  }
0x42: {  	_ =	shalt  }
0x43: {  	_ =	shalt  }
0x44: {  	_ =	shalt  }
0x45: {  	_ =	shalt  }
0x46: {  	_ =	shalt  }
0x47: {  	_ =	shalt  }
0x48: {  	_ =	shalt  }
0x49: {  	_ =	shalt  }
0x4a: {  	_ =	shalt  }
0x4b: {  	_ =	shalt  }
0x4c: {  	_ =	shalt  }
0x4d: {  	_ =	shalt  }
0x4e: {  	_ =	shalt  }
0x4f: {  	_ =	shalt  }
0x50: {  	_ =	shalt  }
0x51: {  	_ =	shalt  }
0x52: {  	_ =	shalt  }
0x53: {  	_ =	shalt  }
0x54: {  	_ =	shalt  }
0x55: {  	_ =	shalt  }
0x56: {  	_ =	shalt  }
0x57: {  	_ =	shalt  }
0x58: {  	_ =	shalt  }
0x59: {  	_ =	shalt  }
0x5a: {  	_ =	shalt  }
0x5b: {  	_ =	shalt  }
0x5c: {  	_ =	shalt  }
0x5d: {  	_ =	shalt  }
0x5e: {  	_ =	shalt  }
0x5f: {  	_ =	shalt  }
0x60: {  	_ =	shalt  }
0x61: {  	_ =	shalt  }
0x62: {  	_ =	shalt  }
0x63: {  	_ =	shalt  }
0x64: {  	_ =	shalt  }
0x65: {  	_ =	shalt  }
0x66: {  	_ =	shalt  }
0x67: {  	_ =	shalt  }
0x68: {  	_ =	shalt  }
0x69: {  	_ =	shalt  }
0x6a: {  	_ =	shalt  }
0x6b: {  	_ =	shalt  }
0x6c: {  	_ =	shalt  }
0x6d: {  	_ =	shalt  }
0x6e: {  	_ =	shalt  }
0x6f: {  	_ =	shalt  }
0x70: {  	_ =	shalt  }
0x71: {  	_ =	shalt  }
0x72: {  	_ =	shalt  }
0x73: {  	_ =	shalt  }
0x74: {  	_ =	shalt  }
0x75: {  	_ =	shalt  }
0x76: {  	_ =	shalt  }
0x77: {  	_ =	shalt  }
0x78: {  	_ =	shalt  }
0x79: {  	_ =	shalt  }
0x7a: {  	_ =	shalt  }
0x7b: {  	_ =	shalt  }
0x7c: {  	_ =	shalt  }
0x7d: {  	_ =	shalt  }
0x7e: {  	_ =	shalt  }
0x7f: {  	_ =	shalt  }
0x80: {  	_ =	shalt  }
0x81: {  	_ =	shalt  }
0x82: {  	_ =	shalt  }
0x83: {  	_ =	shalt  }
0x84: {  	_ =	shalt  }
0x85: {  	_ =	shalt  }
0x86: {  	_ =	shalt  }
0x87: {  	_ =	shalt  }
.Lfunc_end0:
.L_simem_size_0:
called_computation_lowered:
.L_overlay_start_0:
0x88: {  	s2 =	sld [smem:$0x3FD9]  }
0x89: {  	s3 =	sld [smem:$0x3FFE];
	_ =	sdelay $0x1  }
0x8a: {  	s1 =	srdreg.scid  }
0x8b: {  	s0 =	sand.u32 $0x1, s1  }
0x8c: {  	s18 =	sshll.u32 s0, $0xA;
	s2 =	sadd.s32 s3, s2  }
0x8d: {  	s2 =	sadd.s32 s2, s18  }
0x8e: {  	[smem:$0x3FC6] =	sst s2  }
0x8f: {  	_ = 	snop  }
0x90: {  	s2 =	sld [smem:$0x3FC9]  }
0x91: {  	s19 =	sld [smem:$0x3FC8]  }
0x92: {  	s4 =	sld [smem:$0x3FD0];
	(tm) =	ssettm $0x1  }
0x93: {  	s5 =	sld [smem:$0x3FFB];
	_ =	sdelay $0x3  }
0x94: {  	_ =	strace s5  }
0x95: {  	s5 =	sld [smem:$0x3FFC];
	_ =	sdelay $0x3  }
0x96: {  	_ =	strace s5  }
0x97: {  	s5 =	sld [smem:$0x3FFD];
	_ =	sdelay $0x3  }
0x98: {  	_ =	strace s5  }
0x99: {  	_ =	strace $0x8FFFFFFF  }
0x9a: {  	s20 =	sld [smem:$0x3FDB];
	_ =	sdelay $0x1  }
0x9b: {  	s6 =	simm.s32 $_scs_section_size  }
0x9c: {  	s7 =	simm.s32 $_size__tile_overlayer_lowered;
	s8 =	simm.s32 $_tile_overlayer_lowered  }
0x9d: {  	s23 =	simm.s32 $0x1BFF;
	s22 =	sshll.u32 s8, $0x1;
	s5 =	sadd.s32 s6, s20  }
0x9e: {  	s9 =	simm.s32 $0x0;
	s21 =	sshll.u32 s7, $0x1;
	s7 =	sadd.s32 s22, s5  }
0x9f: {  	[timem:s9], [sflag:s23] =	dma.local [hbm:s7], s21  }
0xa0: {  	_ =	swait.ge [sflag:s23], s21  }
0xa1: {  	s6 =	ssub.s32 $0x0, s21;
	[sflag:s23] =	ssyncset.done $0x0  }
0xa2: {  	[sflag:s23] =	ssyncadd.s32 s6;
	_ =	sdelay $0x1  }
0xa3: {  	s24 =	simm.s32 $0x1B8B  }
0xa4: {  	_ =	swait.ge [sflag:s24], $0x1  }
0xa5: {  	[sflag:s24] =	ssyncset.done $0x0  }
0xa6: {  	s25 =	simm.s32 $0x1B8E;
	[sflag:s24] =	ssyncadd.s32 $0xFFFFFFFF  }
0xa7: {  	s26 =	simm.s32 $execute0_lowered;
	[smem:$0x3FD2] =	sst s25  }
0xa8: {  	s6 =	sshll.u32 s26, $0x1;
	_ =	strace $0x80000046;
	[dreg:$0x1] =	wrdreg $0xFFFFFFFF  }
0xa9: {  	s28 =	simm.s32 $_size_execute0_lowered;
	s5 =	sadd.s32 s5, s6;
	[dreg:$0x0] =	wrdreg $0x0  }
0xaa: {  	s6 =	sshll.u32 s28, $0x1;
	[dreg:$0x2] =	wrdreg s5  }
0xab: {  	[dreg:$0x3] =	wrdreg s6  }
0xac: {  	[dreg:$0x4] =	wrdreg $0xC0  }
0xad: {  	_ =	task [dreg:s9], $0x5FFFF  }
0xae: {  	[dreg:$0x1] =	wrdreg $0xFFFFFFFF  }
0xaf: {  	[dreg:$0x0] =	wrdreg $0x60  }
0xb0: {  	[dreg:$0x2] =	wrdreg s2  }
0xb1: {  	[dreg:$0x3] =	wrdreg s19  }
0xb2: {  	[dreg:$0x4] =	wrdreg s4  }
0xb3: {  	[dreg:$0x5] =	wrdreg $0x0  }
0xb4: {  	[dreg:$0x6] =	wrdreg $0x9  }
0xb5: {  	_ =	task.clear_ibuf [dreg:s9], $0x7FFFF;
	_ =	strace $0x90000046  }
0xb6: {  	s29 =	simm.s32 $0x9;
	_ =	strace $0x80000048  }
0xb7: {  	_ =	swait.ge [sflag:s29], $0x1  }
0xb8: {  	[sflag:s29] =	ssyncadd.s32 $0xFFFFFFFF  }
0xb9: {  	_ =	strace $0x90000048  }
0xba: {  	_ =	sfence  }
0xbb: {  	s30 =	sld [smem:$0x0];
	_ =	sdelay $0x2  }
0xbc: {  	s31 =	sshll.u32 s1, $0xD;
	s1 =	sshrl.u32 s1, $0x2  }
0xbd: {  	s3 =	sand.u32 $0x4000, s31;
	s1 =	sadd.s32 s1, s30  }
0xbe: {  	s0 =	sor.u32 s3, s0;
	s1 =	sshll.u32 s1, $0x11  }
0xbf: {  	s0 =	sor.u32 s1, s0  }
0xc0: {  	s0 =	sadd.s32 $0x8F2B, s0  }
0xc1: {  	[sflag:s0] =	ssyncadd.remote.s32 $0x1  }
0xc2: {  	_ =	sfence.sel $0xFFFF  }
0xc3: {  	[dreg:$0x0] =	wrdreg $0xFFFFFFFF;
	(pc) =	sbr.abs _section_cstart, $3  }
0xc4: {  	[dreg:$0x1] =	wrdreg $0xFFFFFFFF  }
0xc5: {  	_ =	task.clear_ibuf [dreg:s9], $0x2FFFF;
	_ =	strace $0x9FFFFFFF  }
0xc6: {  	(tm) =	ssettm $0x7FFFFFFF  }
0xc7: {  	_ =	shalt  }
tec
execute0_lowered:
.L_overlay_start_1:
0x0: {  	(tag) =	ssettag $0x1  }
0x1: {  	s0 =	rddreg [dreg:$0x0]  }
0x2: {  	s1 =	rddreg [dreg:$0x1]  }
0x3: {  	s4 =	rddreg [dreg:$0x2]  }
0x4: {  	s3 =	srdreg.scid;
	s12 =	stileid.u32  }
0x5: {  	s2 =	rddreg [dreg:$0x3];
	s5 =	sand.u32 $0x1, s3;
	s6 =	sshll.u32 s12, $0x1  }
0x6: {  	s3 =	simm.s32 $0x0;
	s7 =	smul.u32 $0x3200, s12;
	p0 =	sgt.u32 s12, $0xD  }
0x7: {  	s6 =	sor.u32 s5, s6;
	[smem:$0x7FF] =	sst s3;
	s5 =	ssub.s32 $0x2, s5  }
0x8: {  	p2 =	sne.s32 @p0 s12, $0xF;
	s12 =	simm.s32 $0x12628;
	s6 =	smul.u32 $0x19000, s6  }
0x9: {  	_ =	strace $0x80000047;
	s8 =	sshrl.u32 s5, $0x1;
	s9 =	sshrl.u32 s7, $0x3  }
0xa: {  	p1 =	por p2, !p0;
	p2 =	por !p2, !p0;
	s5 =	ssub.s32 s5, s8  }
0xb: {  	s14 =	sadd.s32 s1, s9;
	s9 =	sadd.s32 $0x32000, s7;
	s6 =	sshrl.u32 s6, $0x3  }
0xc: {  	[dreg:$0x5] =	wrdreg s14;
	s14 =	sadd.s32 $0x64000, s7;
	s28 =	sadd.s32 s9, s2  }
0xd: {  	s15 =	sadd.s32 $0x640, s6;
	s10 =	sadd.s32 s0, s6;
	s17 =	sadd.s32 s4, s6  }
0xe: {  	s18 =	sadd.s32 $0xC80, s6;
	s11 =	sadd.s32 $0x12C0, s6;
	[dreg:$0x6] =	wrdreg s10  }
0xf: {  	s21 =	sadd.s32 $0x1900, s6;
	s16 =	sadd.s32 s0, s15;
	[dreg:$0x8] =	wrdreg s17  }
0x10: {  	s22 =	sadd.s32 $0x1F40, s6;
	s13 =	sadd.s32 s0, s18;
	[dreg:$0x7] =	wrdreg s16  }
0x11: {  	s25 =	sadd.s32 $0x2580, s6;
	s8 =	sadd.s32 s4, s15;
	[dreg:$0x9] =	wrdreg s13  }
0x12: {  	s6 =	sadd.s32 $0x2BC0, s6;
	s19 =	sadd.s32 s0, s11;
	[dreg:$0xa] =	wrdreg s8  }
0x13: {  	s29 =	sadd.s32 s14, s2;
	s20 =	sadd.s32 s4, s18;
	[dreg:$0xb] =	wrdreg s19  }
0x14: {  	s23 =	sadd.s32 s0, s21;
	s11 =	sadd.s32 s4, s11;
	[dreg:$0xc] =	wrdreg s20  }
0x15: {  	s24 =	sadd.s32 s0, s22;
	s26 =	sadd.s32 s0, s25;
	[dreg:$0xd] =	wrdreg s23  }
0x16: {  	s10 =	sadd.s32 s4, s22;
	s18 =	sadd.s32 s0, s6;
	[dreg:$0xe] =	wrdreg s11  }
0x17: {  	s17 =	sadd.s32 $0x96000, s7;
	s0 =	smax.u32 s5, $0x1;
	[dreg:$0xf] =	wrdreg s24  }
0x18: {  	s5 =	simm.s32 $0x18A28;
	s8 =	sadd.s32 s4, s21;
	[dreg:$0x11] =	wrdreg s26  }
0x19: {  	[dreg:$0x12] =	wrdreg s10;
	s19 =	sadd.s32 s4, s25;
	s20 =	sadd.s32 s4, s6  }
0x1a: {  	s11 =	sshrl.u32 s9, $0x3;
	s13 =	sadd.s32 $0xC8000, s7;
	s16 =	sshrl.u32 s14, $0x3  }
0x1b: {  	s26 =	sshrl.u32 s17, $0x3;
	s25 =	sadd.s32 $0x1E780, s1;
	s30 =	sadd.s32 s17, s2  }
0x1c: {  	s4 =	simm.s32 $0x15828;
	s6 =	simm.s32 $0x3;
	s9 =	simm.s32 $0x2  }
0x1d: {  	s10 =	simm.s32 $0xF428;
	s14 =	simm.s32 $0x0;
	[dreg:$0x10] =	wrdreg s8  }
0x1e: {  	s21 =	sadd.s32 s1, s11;
	s15 =	sshrl.u32 s13, $0x3;
	s23 =	sadd.s32 s1, s16  }
0x1f: {  	s24 =	sadd.s32 s1, s26;
	s26 =	sadd.s32 s7, s2;
	s31 =	sadd.s32 s13, s2  }
0x20: {  	s7 =	simm.s32 $0x1;
	s8 =	simm.s32 $0x4;
	s11 =	simm.s32 $0x3200  }
0x21: {  	s13 =	simm.s32 $0x6;
	s22 =	sadd.s32 s1, s15;
	s1 =	sadd.s32 $0xF3C00, s2  }
.LBB2_1:
0x22: {  	s15 =	rddreg [dreg:$0x5]  }
0x23: {  	[tilespmem:s4], [sflag:$0x3] =	stream.linear.gather [hbm4b:s15+s3], $0x3200, $0x38;
	[tilespmem:$0x1EE28] =	vst v63  }
0x24: {  	_ = 	snop  }
0x25: {  	[tilespmem:s5], [sflag:$0x4] =	stream.linear.gather [hbm4b:s21+s3], $0x3200, $0x38;
	[tilespmem:$0x1EE28] =	vst v63  }
0x26: {  	s16 =	simm.s32 @!p1 $0x1BC28;
	s15 =	simm.s32 @!p1 $0x0  }
0x27: {  	[tilespmem:s16], [sflag:$0x5] =	stream.linear.gather @!p1 [hbm4b:s25+s15], $0x640, $0x38;
	[tilespmem:$0x1EE28] =	vst v63  }
0x28: {  	s15 =	simm.s32 @!p0 $0x0;
	s16 =	simm.s32 @!p0 $0x1BC28  }
0x29: {  	[tilespmem:s16], [sflag:$0x5] =	stream.linear.gather @!p0 [hbm4b:s22+s15], $0x3200, $0x38;
	[tilespmem:$0x1EE28] =	vst v63  }
0x2a: {  	_ =	swait.ge [sflag:s6], $0x3200  }
0x2b: {  	[sflag:s6] =	ssyncset.done $0x0  }
0x2c: {  	[sflag:s6] =	ssyncadd.s32 $0xFFFFCE00  }
0x2d: {  	[spmem:s26] =	stream.linear.scatter [tilespmem:s4], [sflag:$0x1], $0x3200, $0x38;
	[tilespmem:$0x1EE28] =	vst v63  }
0x2e: {  	_ =	swait.ge [sflag:s7], $0x3200  }
0x2f: {  	[sflag:s7] =	ssyncset.done $0x0  }
0x30: {  	[sflag:s7] =	ssyncadd.s32 $0xFFFFCE00  }
0x31: {  	[tilespmem:s4], [sflag:$0x3] =	stream.linear.gather [hbm4b:s23+s3], $0x3200, $0x38;
	[tilespmem:$0x1EE28] =	vst v63  }
0x32: {  	_ =	swait.ge [sflag:s8], $0x3200  }
0x33: {  	[sflag:s8] =	ssyncset.done $0x0  }
0x34: {  	[sflag:s8] =	ssyncadd.s32 $0xFFFFCE00  }
0x35: {  	[spmem:s28] =	stream.linear.scatter [tilespmem:s5], [sflag:$0x2], $0x3200, $0x38;
	[tilespmem:$0x1EE28] =	vst v63  }
0x36: {  	_ =	swait.ge [sflag:s9], $0x3200  }
0x37: {  	[sflag:s9] =	ssyncset.done $0x0  }
0x38: {  	[sflag:s9] =	ssyncadd.s32 $0xFFFFCE00  }
0x39: {  	[tilespmem:s5], [sflag:$0x4] =	stream.linear.gather [hbm4b:s24+s3], $0x3200, $0x38;
	[tilespmem:$0x1EE28] =	vst v63  }
0x3a: {  	_ =	swait.ge [sflag:s6], $0x3200  }
0x3b: {  	[sflag:s6] =	ssyncset.done $0x0  }
0x3c: {  	[sflag:s6] =	ssyncadd.s32 $0xFFFFCE00  }
0x3d: {  	[spmem:s29] =	stream.linear.scatter [tilespmem:s4], [sflag:$0x1], $0x3200, $0x38;
	[tilespmem:$0x1EE28] =	vst v63  }
0x3e: {  	_ =	swait.ge [sflag:s8], $0x3200  }
0x3f: {  	[sflag:s8] =	ssyncset.done $0x0  }
0x40: {  	[sflag:s8] =	ssyncadd.s32 $0xFFFFCE00  }
0x41: {  	[spmem:s30] =	stream.linear.scatter [tilespmem:s5], [sflag:$0x2], $0x3200, $0x38;
	[tilespmem:$0x1EE28] =	vst v63  }
0x42: {  	s17 =	rddreg [dreg:$0x6]  }
0x43: {  	[tilespmem:s10], [sflag:$0x3] =	stream.linear.gather [hbm4b:s17+s3], $0x3200, $0x38;
	[tilespmem:$0x1EE28] =	vst v63  }
0x44: {  	_ =	swait.ge [sflag:s7], $0x3200  }
0x45: {  	[sflag:s7] =	ssyncset.done $0x0  }
0x46: {  	[sflag:s7] =	ssyncadd.s32 $0xFFFFCE00  }
0x47: {  	_ =	swait.ge [sflag:s9], $0x3200  }
0x48: {  	[sflag:s9] =	ssyncset.done $0x0  }
0x49: {  	s15 =	simm.s32 @!p0 $0x5;
	[sflag:s9] =	ssyncadd.s32 $0xFFFFCE00  }
0x4a: {  	_ =	swait.ge @!p0 [sflag:s15], $0x3200  }
0x4b: {  	[sflag:s15] =	ssyncset.done @!p0 $0x0  }
0x4c: {  	p4 =	por @p0 $0x0, $0x0;
	p3 =	por @!p1 $0x1, $0x1;
	[sflag:s15] =	ssyncadd.s32 @!p0 $0xFFFFCE00  }
0x4d: {  	[spmem:s31] =	stream.linear.scatter @!p0 [tilespmem:s16], [sflag:$0x5], $0x3200, $0x38;
	[tilespmem:$0x1EE28] =	vst v63  }
0x4e: {  	p3 =	por @!p2 p4, p4;
	p4 =	por @!p0 $0x0, $0x0;
	_ =	swait.ge @!p0 [sflag:s15], $0x3200  }
0x4f: {  	p3 =	por @!p0 p4, p4;
	[sflag:s15] =	ssyncset.done @!p0 $0x0  }
0x50: {  	[sflag:s15] =	ssyncadd.s32 @!p0 $0xFFFFCE00;
	s15 =	simm.s32 @p3 $0x5  }
0x51: {  	_ =	swait.ge @p3 [sflag:s15], $0x640  }
0x52: {  	[sflag:s15] =	ssyncset.done @p3 $0x0  }
0x53: {  	s16 =	simm.s32 @p3 $0x1BC28;
	[sflag:s15] =	ssyncadd.s32 @p3 $0xFFFFF9C0  }
0x54: {  	[spmem:s1] =	stream.linear.scatter @p3 [tilespmem:s16], [sflag:$0x5], $0x640, $0x38;
	[tilespmem:$0x1EE28] =	vst v63  }
0x55: {  	_ =	swait.ge @p3 [sflag:s15], $0x640  }
0x56: {  	[sflag:s15] =	ssyncset.done @p3 $0x0  }
0x57: {  	[sflag:s15] =	ssyncadd.s32 @p3 $0xFFFFF9C0  }
0x58: {  	[bflag:$0x0] =	sbarrier.arrive $0xFFFF  }
0x59: {  	_ =	swait.ge [sflag:s6], $0x3200  }
0x5a: {  	[sflag:s6] =	ssyncset.done $0x0  }
0x5b: {  	[sflag:s6] =	ssyncadd.s32 $0xFFFFCE00  }
0x5c: {  	[tilespmem:s4], [sflag:$0x1] =	stream.indirect.gather [spmem:s2], $0x1, s10, s11, $0xb8;
	[tilespmem:$0x1EE28] =	vst v63  }
0x5d: {  	s17 =	rddreg [dreg:$0x7]  }
0x5e: {  	[tilespmem:s12], [sflag:$0x6] =	stream.linear.gather [hbm4b:s17+s3], $0x3200, $0x38;
	[tilespmem:$0x1EE28] =	vst v63  }
0x5f: {  	_ =	swait.ge [sflag:s13], $0x3200  }
0x60: {  	[sflag:s13] =	ssyncset.done $0x0  }
0x61: {  	[sflag:s13] =	ssyncadd.s32 $0xFFFFCE00  }
0x62: {  	[tilespmem:s5], [sflag:$0x2] =	stream.indirect.gather [spmem:s2], $0x1, s12, s11, $0xb8;
	[tilespmem:$0x1EE28] =	vst v63  }
0x63: {  	_ =	swait.ge [sflag:s7], $0x3200  }
0x64: {  	[sflag:s7] =	ssyncset.done $0x0  }
0x65: {  	s15 =	simm.s32 $0x0;
	[sflag:s7] =	ssyncadd.s32 $0xFFFFCE00  }
0x66: {  	v0 =	vld [tilespmem:s15+$0x15828]  }
0x67: {  	v1 =	vld [tilespmem:s15+$0x15838]  }
0x68: {  	s16 =	simm.s32 $0x100;
	v2 =	vld [tilespmem:s15+$0x15848]  }
.LBB2_2:
0x69: {  	p3 =	sne.s32 s16, $0xC700;
	v3 =	vld [tilespmem:s15+$0x15858];
	_ =	sdelay $0x1  }
0x6a: {  	v0 =	vsub.f32 $0.0e+00, v0  }
0x6b: {  	v1 =	vsub.f32 $0.0e+00, v1  }
0x6c: {  	v0 =	vmul.f32 $1.442695020e+00, v0;
	v2 =	vsub.f32 $0.0e+00, v2  }
0x6d: {  	v1 =	vmul.f32 $1.442695020e+00, v1;
	v3 =	vsub.f32 $0.0e+00, v3  }
0x6e: {  	v2 =	vmul.f32 $1.442695020e+00, v2;
	(erf) = vpow2.f32 v0  }
0x6f: {  	v0 =	vmul.f32 $1.442695020e+00, v3;
	(erf) = vpow2.f32 v1  }
0x70: {  	(erf) = vpow2.f32 v2  }
0x71: {  	(erf) = vpow2.f32 v0;
	_ =	sdelay $0x5  }
0x72: {  	v0 =	vpop (erf)  }
0x73: {  	v3 =	vadd.f32 $1.000000000e+00, v0;
	v1 =	vpop (erf)  }
0x74: {  	v1 =	vadd.f32 $1.000000000e+00, v1;
	v2 =	vpop (erf)  }
0x75: {  	v2 =	vadd.f32 $1.000000000e+00, v2;
	(erf) = vrcp.f32 v3;
	v0 =	vpop (erf)  }
0x76: {  	v0 =	vadd.f32 $1.000000000e+00, v0;
	(erf) = vrcp.f32 v1  }
0x77: {  	(erf) = vrcp.f32 v2  }
0x78: {  	(erf) = vrcp.f32 v0;
	_ =	sdelay $0x5  }
.Ltmp0:
0x79: {  	v0 =	vpop (erf);
	(pc) =	sbr.rel @p3 .LBB2_2-.Ltmp0, $4  }
0x7a: {  	s17 =	sshra.s32 s16, $0x2;
	[tilespmem:s15+$0x15828] =	vst v0;
	v1 =	vpop (erf)  }
0x7b: {  	v0 =	vld [tilespmem:s17+$0x15828];
	[tilespmem:s15+$0x15838] =	vst v1;
	v2 =	vpop (erf)  }
0x7c: {  	v1 =	vld [tilespmem:s17+$0x15838];
	[tilespmem:s15+$0x15848] =	vst v2;
	v3 =	vpop (erf)  }
0x7d: {  	s16 =	sadd.s32 $0x100, s16;
	v2 =	vld [tilespmem:s17+$0x15848];
	[tilespmem:s15+$0x15858] =	vst v3;
	s15 =	smov.u32 s17  }
0x7e: {  	_ =	sdelay $0x1  }
0x7f: {  	v3 =	vld [tilespmem:s15+$0x15858];
	v0 =	vsub.f32 $0.0e+00, v0;
	_ =	sdelay $0x1  }
0x80: {  	v0 =	vmul.f32 $1.442695020e+00, v0  }
0x81: {  	v1 =	vsub.f32 $0.0e+00, v1  }
0x82: {  	v2 =	vsub.f32 $0.0e+00, v2;
	(erf) = vpow2.f32 v0  }
0x83: {  	v1 =	vmul.f32 $1.442695020e+00, v1;
	v3 =	vsub.f32 $0.0e+00, v3  }
0x84: {  	v2 =	vmul.f32 $1.442695020e+00, v2  }
0x85: {  	v0 =	vmul.f32 $1.442695020e+00, v3;
	(erf) = vpow2.f32 v1  }
0x86: {  	(erf) = vpow2.f32 v2  }
0x87: {  	(erf) = vpow2.f32 v0;
	_ =	sdelay $0x3  }
0x88: {  	v0 =	vpop (erf)  }
0x89: {  	v0 =	vadd.f32 $1.000000000e+00, v0;
	_ =	sdelay $0x1  }
0x8a: {  	v1 =	vpop (erf)  }
0x8b: {  	v1 =	vadd.f32 $1.000000000e+00, v1;
	v2 =	vpop (erf)  }
0x8c: {  	v2 =	vadd.f32 $1.000000000e+00, v2;
	(erf) = vrcp.f32 v0;
	v0 =	vpop (erf)  }
0x8d: {  	(erf) = vrcp.f32 v1;
	v0 =	vadd.f32 $1.000000000e+00, v0  }
0x8e: {  	(erf) = vrcp.f32 v2  }
0x8f: {  	(erf) = vrcp.f32 v0;
	_ =	sdelay $0x5  }
0x90: {  	v0 =	vpop (erf)  }
0x91: {  	[tilespmem:s15+$0x15828] =	vst v0;
	v0 =	vpop (erf)  }
0x92: {  	[tilespmem:s15+$0x15838] =	vst v0;
	v0 =	vpop (erf)  }
0x93: {  	[tilespmem:s15+$0x15848] =	vst v0;
	v0 =	vpop (erf)  }
0x94: {  	s16 =	rddreg [dreg:$0x8];
	[tilespmem:s15+$0x15858] =	vst v0;
	s15 =	simm.s32 $0x0  }
0x95: {  	[hbm4b:s16+s15] =	stream.linear.scatter [tilespmem:s4], [sflag:$0x6], $0x3200, $0x38;
	[tilespmem:$0x1EE28] =	vst v63  }
0x96: {  	_ =	swait.ge [sflag:s13], $0x3200  }
0x97: {  	[sflag:s13] =	ssyncset.done $0x0  }
0x98: {  	s17 =	rddreg [dreg:$0x9];
	[sflag:s13] =	ssyncadd.s32 $0xFFFFCE00  }
0x99: {  	[tilespmem:s10], [sflag:$0x6] =	stream.linear.gather [hbm4b:s17+s15], $0x3200, $0x38;
	[tilespmem:$0x1EE28] =	vst v63  }
0x9a: {  	_ =	swait.ge [sflag:s13], $0x3200  }
0x9b: {  	[sflag:s13] =	ssyncset.done $0x0  }
0x9c: {  	[sflag:s13] =	ssyncadd.s32 $0xFFFFCE00  }
0x9d: {  	[tilespmem:s4], [sflag:$0x1] =	stream.indirect.gather [spmem:s2], $0x1, s10, s11, $0xb8;
	[tilespmem:$0x1EE28] =	vst v63  }
0x9e: {  	_ =	swait.ge [sflag:s9], $0x3200  }
0x9f: {  	[sflag:s9] =	ssyncset.done $0x0  }
0xa0: {  	s15 =	simm.s32 $0x0;
	[sflag:s9] =	ssyncadd.s32 $0xFFFFCE00  }
0xa1: {  	v0 =	vld [tilespmem:s15+$0x18A28]  }
0xa2: {  	v1 =	vld [tilespmem:s15+$0x18A38]  }
0xa3: {  	s16 =	simm.s32 $0x100;
	v2 =	vld [tilespmem:s15+$0x18A48]  }
.LBB2_4:
0xa4: {  	p3 =	sne.s32 s16, $0xC700;
	v3 =	vld [tilespmem:s15+$0x18A58];
	_ =	sdelay $0x1  }
0xa5: {  	v0 =	vsub.f32 $0.0e+00, v0  }
0xa6: {  	v1 =	vsub.f32 $0.0e+00, v1  }
0xa7: {  	v0 =	vmul.f32 $1.442695020e+00, v0;
	v2 =	vsub.f32 $0.0e+00, v2  }
0xa8: {  	v1 =	vmul.f32 $1.442695020e+00, v1;
	v3 =	vsub.f32 $0.0e+00, v3  }
0xa9: {  	v2 =	vmul.f32 $1.442695020e+00, v2;
	(erf) = vpow2.f32 v0  }
0xaa: {  	v0 =	vmul.f32 $1.442695020e+00, v3;
	(erf) = vpow2.f32 v1  }
0xab: {  	(erf) = vpow2.f32 v2  }
0xac: {  	(erf) = vpow2.f32 v0;
	_ =	sdelay $0x5  }
0xad: {  	v0 =	vpop (erf)  }
0xae: {  	v3 =	vadd.f32 $1.000000000e+00, v0;
	v1 =	vpop (erf)  }
0xaf: {  	v1 =	vadd.f32 $1.000000000e+00, v1;
	v2 =	vpop (erf)  }
0xb0: {  	v2 =	vadd.f32 $1.000000000e+00, v2;
	(erf) = vrcp.f32 v3;
	v0 =	vpop (erf)  }
0xb1: {  	v0 =	vadd.f32 $1.000000000e+00, v0;
	(erf) = vrcp.f32 v1  }
0xb2: {  	(erf) = vrcp.f32 v2  }
0xb3: {  	(erf) = vrcp.f32 v0;
	_ =	sdelay $0x5  }
.Ltmp1:
0xb4: {  	v0 =	vpop (erf);
	(pc) =	sbr.rel @p3 .LBB2_4-.Ltmp1, $4  }
0xb5: {  	s17 =	sshra.s32 s16, $0x2;
	[tilespmem:s15+$0x18A28] =	vst v0;
	v1 =	vpop (erf)  }
0xb6: {  	v0 =	vld [tilespmem:s17+$0x18A28];
	[tilespmem:s15+$0x18A38] =	vst v1;
	v2 =	vpop (erf)  }
0xb7: {  	v1 =	vld [tilespmem:s17+$0x18A38];
	[tilespmem:s15+$0x18A48] =	vst v2;
	v3 =	vpop (erf)  }
0xb8: {  	s16 =	sadd.s32 $0x100, s16;
	v2 =	vld [tilespmem:s17+$0x18A48];
	[tilespmem:s15+$0x18A58] =	vst v3;
	s15 =	smov.u32 s17  }
0xb9: {  	_ =	sdelay $0x1  }
0xba: {  	v3 =	vld [tilespmem:s15+$0x18A58];
	v0 =	vsub.f32 $0.0e+00, v0;
	_ =	sdelay $0x1  }
0xbb: {  	v0 =	vmul.f32 $1.442695020e+00, v0  }
0xbc: {  	v1 =	vsub.f32 $0.0e+00, v1  }
0xbd: {  	v2 =	vsub.f32 $0.0e+00, v2;
	(erf) = vpow2.f32 v0  }
0xbe: {  	v1 =	vmul.f32 $1.442695020e+00, v1;
	v3 =	vsub.f32 $0.0e+00, v3  }
0xbf: {  	v2 =	vmul.f32 $1.442695020e+00, v2  }
0xc0: {  	v0 =	vmul.f32 $1.442695020e+00, v3;
	(erf) = vpow2.f32 v1  }
0xc1: {  	(erf) = vpow2.f32 v2  }
0xc2: {  	(erf) = vpow2.f32 v0;
	_ =	sdelay $0x3  }
0xc3: {  	v0 =	vpop (erf)  }
0xc4: {  	v0 =	vadd.f32 $1.000000000e+00, v0;
	_ =	sdelay $0x1  }
0xc5: {  	v1 =	vpop (erf)  }
0xc6: {  	v1 =	vadd.f32 $1.000000000e+00, v1;
	v2 =	vpop (erf)  }
0xc7: {  	v2 =	vadd.f32 $1.000000000e+00, v2;
	(erf) = vrcp.f32 v0;
	v0 =	vpop (erf)  }
0xc8: {  	(erf) = vrcp.f32 v1;
	v0 =	vadd.f32 $1.000000000e+00, v0  }
0xc9: {  	(erf) = vrcp.f32 v2  }
0xca: {  	(erf) = vrcp.f32 v0;
	_ =	sdelay $0x5  }
0xcb: {  	v0 =	vpop (erf)  }
0xcc: {  	[tilespmem:s15+$0x18A28] =	vst v0;
	v0 =	vpop (erf)  }
0xcd: {  	[tilespmem:s15+$0x18A38] =	vst v0;
	v0 =	vpop (erf)  }
0xce: {  	[tilespmem:s15+$0x18A48] =	vst v0;
	v0 =	vpop (erf)  }
0xcf: {  	s16 =	rddreg [dreg:$0xa];
	[tilespmem:s15+$0x18A58] =	vst v0;
	s15 =	simm.s32 $0x0  }
0xd0: {  	[hbm4b:s16+s15] =	stream.linear.scatter [tilespmem:s5], [sflag:$0x6], $0x3200, $0x38;
	[tilespmem:$0x1EE28] =	vst v63  }
0xd1: {  	_ =	swait.ge [sflag:s13], $0x3200  }
0xd2: {  	[sflag:s13] =	ssyncset.done $0x0  }
0xd3: {  	s17 =	rddreg [dreg:$0xb];
	[sflag:s13] =	ssyncadd.s32 $0xFFFFCE00  }
0xd4: {  	[tilespmem:s12], [sflag:$0x6] =	stream.linear.gather [hbm4b:s17+s15], $0x3200, $0x38;
	[tilespmem:$0x1EE28] =	vst v63  }
0xd5: {  	_ =	swait.ge [sflag:s13], $0x3200  }
0xd6: {  	[sflag:s13] =	ssyncset.done $0x0  }
0xd7: {  	[sflag:s13] =	ssyncadd.s32 $0xFFFFCE00  }
0xd8: {  	[tilespmem:s5], [sflag:$0x2] =	stream.indirect.gather [spmem:s2], $0x1, s12, s11, $0xb8;
	[tilespmem:$0x1EE28] =	vst v63  }
0xd9: {  	_ =	swait.ge [sflag:s7], $0x3200  }
0xda: {  	[sflag:s7] =	ssyncset.done $0x0  }
0xdb: {  	s15 =	simm.s32 $0x0;
	[sflag:s7] =	ssyncadd.s32 $0xFFFFCE00  }
0xdc: {  	v0 =	vld [tilespmem:s15+$0x15828]  }
0xdd: {  	v1 =	vld [tilespmem:s15+$0x15838]  }
0xde: {  	s16 =	simm.s32 $0x100;
	v2 =	vld [tilespmem:s15+$0x15848]  }
.LBB2_6:
0xdf: {  	p3 =	sne.s32 s16, $0xC700;
	v3 =	vld [tilespmem:s15+$0x15858];
	_ =	sdelay $0x1  }
0xe0: {  	v0 =	vsub.f32 $0.0e+00, v0  }
0xe1: {  	v1 =	vsub.f32 $0.0e+00, v1  }
0xe2: {  	v0 =	vmul.f32 $1.442695020e+00, v0;
	v2 =	vsub.f32 $0.0e+00, v2  }
0xe3: {  	v1 =	vmul.f32 $1.442695020e+00, v1;
	v3 =	vsub.f32 $0.0e+00, v3  }
0xe4: {  	v2 =	vmul.f32 $1.442695020e+00, v2;
	(erf) = vpow2.f32 v0  }
0xe5: {  	v0 =	vmul.f32 $1.442695020e+00, v3;
	(erf) = vpow2.f32 v1  }
0xe6: {  	(erf) = vpow2.f32 v2  }
0xe7: {  	(erf) = vpow2.f32 v0;
	_ =	sdelay $0x5  }
0xe8: {  	v0 =	vpop (erf)  }
0xe9: {  	v3 =	vadd.f32 $1.000000000e+00, v0;
	v1 =	vpop (erf)  }
0xea: {  	v1 =	vadd.f32 $1.000000000e+00, v1;
	v2 =	vpop (erf)  }
0xeb: {  	v2 =	vadd.f32 $1.000000000e+00, v2;
	(erf) = vrcp.f32 v3;
	v0 =	vpop (erf)  }
0xec: {  	v0 =	vadd.f32 $1.000000000e+00, v0;
	(erf) = vrcp.f32 v1  }
0xed: {  	(erf) = vrcp.f32 v2  }
0xee: {  	(erf) = vrcp.f32 v0;
	_ =	sdelay $0x5  }
.Ltmp2:
0xef: {  	v0 =	vpop (erf);
	(pc) =	sbr.rel @p3 .LBB2_6-.Ltmp2, $4  }
0xf0: {  	s17 =	sshra.s32 s16, $0x2;
	[tilespmem:s15+$0x15828] =	vst v0;
	v1 =	vpop (erf)  }
0xf1: {  	v0 =	vld [tilespmem:s17+$0x15828];
	[tilespmem:s15+$0x15838] =	vst v1;
	v2 =	vpop (erf)  }
0xf2: {  	v1 =	vld [tilespmem:s17+$0x15838];
	[tilespmem:s15+$0x15848] =	vst v2;
	v3 =	vpop (erf)  }
0xf3: {  	s16 =	sadd.s32 $0x100, s16;
	v2 =	vld [tilespmem:s17+$0x15848];
	[tilespmem:s15+$0x15858] =	vst v3;
	s15 =	smov.u32 s17  }
0xf4: {  	_ =	sdelay $0x1  }
0xf5: {  	v3 =	vld [tilespmem:s15+$0x15858];
	v0 =	vsub.f32 $0.0e+00, v0;
	_ =	sdelay $0x1  }
0xf6: {  	v0 =	vmul.f32 $1.442695020e+00, v0  }
0xf7: {  	v1 =	vsub.f32 $0.0e+00, v1  }
0xf8: {  	v2 =	vsub.f32 $0.0e+00, v2;
	(erf) = vpow2.f32 v0  }
0xf9: {  	v1 =	vmul.f32 $1.442695020e+00, v1;
	v3 =	vsub.f32 $0.0e+00, v3  }
0xfa: {  	v2 =	vmul.f32 $1.442695020e+00, v2  }
0xfb: {  	v0 =	vmul.f32 $1.442695020e+00, v3;
	(erf) = vpow2.f32 v1  }
0xfc: {  	(erf) = vpow2.f32 v2  }
0xfd: {  	(erf) = vpow2.f32 v0;
	_ =	sdelay $0x3  }
0xfe: {  	v0 =	vpop (erf)  }
0xff: {  	v0 =	vadd.f32 $1.000000000e+00, v0;
	_ =	sdelay $0x1  }
0x100: {  	v1 =	vpop (erf)  }
0x101: {  	v1 =	vadd.f32 $1.000000000e+00, v1;
	v2 =	vpop (erf)  }
0x102: {  	v2 =	vadd.f32 $1.000000000e+00, v2;
	(erf) = vrcp.f32 v0;
	v0 =	vpop (erf)  }
0x103: {  	(erf) = vrcp.f32 v1;
	v0 =	vadd.f32 $1.000000000e+00, v0  }
0x104: {  	(erf) = vrcp.f32 v2  }
0x105: {  	(erf) = vrcp.f32 v0;
	_ =	sdelay $0x5  }
0x106: {  	v0 =	vpop (erf)  }
0x107: {  	[tilespmem:s15+$0x15828] =	vst v0;
	v0 =	vpop (erf)  }
0x108: {  	[tilespmem:s15+$0x15838] =	vst v0;
	v0 =	vpop (erf)  }
0x109: {  	[tilespmem:s15+$0x15848] =	vst v0;
	v0 =	vpop (erf)  }
0x10a: {  	s16 =	rddreg [dreg:$0xc];
	[tilespmem:s15+$0x15858] =	vst v0;
	s15 =	simm.s32 $0x0  }
0x10b: {  	[hbm4b:s16+s15] =	stream.linear.scatter [tilespmem:s4], [sflag:$0x6], $0x3200, $0x38;
	[tilespmem:$0x1EE28] =	vst v63  }
0x10c: {  	_ =	swait.ge [sflag:s13], $0x3200  }
0x10d: {  	[sflag:s13] =	ssyncset.done $0x0  }
0x10e: {  	s17 =	rddreg [dreg:$0xd];
	[sflag:s13] =	ssyncadd.s32 $0xFFFFCE00  }
0x10f: {  	[tilespmem:s10], [sflag:$0x6] =	stream.linear.gather [hbm4b:s17+s15], $0x3200, $0x38;
	[tilespmem:$0x1EE28] =	vst v63  }
0x110: {  	_ =	swait.ge [sflag:s13], $0x3200  }
0x111: {  	[sflag:s13] =	ssyncset.done $0x0  }
0x112: {  	[sflag:s13] =	ssyncadd.s32 $0xFFFFCE00  }
0x113: {  	[tilespmem:s4], [sflag:$0x1] =	stream.indirect.gather [spmem:s2], $0x1, s10, s11, $0xb8;
	[tilespmem:$0x1EE28] =	vst v63  }
0x114: {  	_ =	swait.ge [sflag:s9], $0x3200  }
0x115: {  	[sflag:s9] =	ssyncset.done $0x0  }
0x116: {  	s15 =	simm.s32 $0x0;
	[sflag:s9] =	ssyncadd.s32 $0xFFFFCE00  }
0x117: {  	v0 =	vld [tilespmem:s15+$0x18A28]  }
0x118: {  	v1 =	vld [tilespmem:s15+$0x18A38]  }
0x119: {  	s16 =	simm.s32 $0x100;
	v2 =	vld [tilespmem:s15+$0x18A48]  }
.LBB2_8:
0x11a: {  	p3 =	sne.s32 s16, $0xC700;
	v3 =	vld [tilespmem:s15+$0x18A58];
	_ =	sdelay $0x1  }
0x11b: {  	v0 =	vsub.f32 $0.0e+00, v0  }
0x11c: {  	v1 =	vsub.f32 $0.0e+00, v1  }
0x11d: {  	v0 =	vmul.f32 $1.442695020e+00, v0;
	v2 =	vsub.f32 $0.0e+00, v2  }
0x11e: {  	v1 =	vmul.f32 $1.442695020e+00, v1;
	v3 =	vsub.f32 $0.0e+00, v3  }
0x11f: {  	v2 =	vmul.f32 $1.442695020e+00, v2;
	(erf) = vpow2.f32 v0  }
0x120: {  	v0 =	vmul.f32 $1.442695020e+00, v3;
	(erf) = vpow2.f32 v1  }
0x121: {  	(erf) = vpow2.f32 v2  }
0x122: {  	(erf) = vpow2.f32 v0;
	_ =	sdelay $0x5  }
0x123: {  	v0 =	vpop (erf)  }
0x124: {  	v3 =	vadd.f32 $1.000000000e+00, v0;
	v1 =	vpop (erf)  }
0x125: {  	v1 =	vadd.f32 $1.000000000e+00, v1;
	v2 =	vpop (erf)  }
0x126: {  	v2 =	vadd.f32 $1.000000000e+00, v2;
	(erf) = vrcp.f32 v3;
	v0 =	vpop (erf)  }
0x127: {  	v0 =	vadd.f32 $1.000000000e+00, v0;
	(erf) = vrcp.f32 v1  }
0x128: {  	(erf) = vrcp.f32 v2  }
0x129: {  	(erf) = vrcp.f32 v0;
	_ =	sdelay $0x5  }
.Ltmp3:
0x12a: {  	v0 =	vpop (erf);
	(pc) =	sbr.rel @p3 .LBB2_8-.Ltmp3, $4  }
0x12b: {  	s17 =	sshra.s32 s16, $0x2;
	[tilespmem:s15+$0x18A28] =	vst v0;
	v1 =	vpop (erf)  }
0x12c: {  	v0 =	vld [tilespmem:s17+$0x18A28];
	[tilespmem:s15+$0x18A38] =	vst v1;
	v2 =	vpop (erf)  }
0x12d: {  	v1 =	vld [tilespmem:s17+$0x18A38];
	[tilespmem:s15+$0x18A48] =	vst v2;
	v3 =	vpop (erf)  }
0x12e: {  	s16 =	sadd.s32 $0x100, s16;
	v2 =	vld [tilespmem:s17+$0x18A48];
	[tilespmem:s15+$0x18A58] =	vst v3;
	s15 =	smov.u32 s17  }
0x12f: {  	_ =	sdelay $0x1  }
0x130: {  	v3 =	vld [tilespmem:s15+$0x18A58];
	v0 =	vsub.f32 $0.0e+00, v0;
	_ =	sdelay $0x1  }
0x131: {  	v0 =	vmul.f32 $1.442695020e+00, v0  }
0x132: {  	v1 =	vsub.f32 $0.0e+00, v1  }
0x133: {  	v2 =	vsub.f32 $0.0e+00, v2;
	(erf) = vpow2.f32 v0  }
0x134: {  	v1 =	vmul.f32 $1.442695020e+00, v1;
	v3 =	vsub.f32 $0.0e+00, v3  }
0x135: {  	v2 =	vmul.f32 $1.442695020e+00, v2  }
0x136: {  	v0 =	vmul.f32 $1.442695020e+00, v3;
	(erf) = vpow2.f32 v1  }
0x137: {  	(erf) = vpow2.f32 v2  }
0x138: {  	(erf) = vpow2.f32 v0;
	_ =	sdelay $0x3  }
0x139: {  	v0 =	vpop (erf)  }
0x13a: {  	v0 =	vadd.f32 $1.000000000e+00, v0;
	_ =	sdelay $0x1  }
0x13b: {  	v1 =	vpop (erf)  }
0x13c: {  	v1 =	vadd.f32 $1.000000000e+00, v1;
	v2 =	vpop (erf)  }
0x13d: {  	v2 =	vadd.f32 $1.000000000e+00, v2;
	(erf) = vrcp.f32 v0;
	v0 =	vpop (erf)  }
0x13e: {  	(erf) = vrcp.f32 v1;
	v0 =	vadd.f32 $1.000000000e+00, v0  }
0x13f: {  	(erf) = vrcp.f32 v2  }
0x140: {  	(erf) = vrcp.f32 v0;
	_ =	sdelay $0x5  }
0x141: {  	v0 =	vpop (erf)  }
0x142: {  	[tilespmem:s15+$0x18A28] =	vst v0;
	v0 =	vpop (erf)  }
0x143: {  	[tilespmem:s15+$0x18A38] =	vst v0;
	v0 =	vpop (erf)  }
0x144: {  	[tilespmem:s15+$0x18A48] =	vst v0;
	v0 =	vpop (erf)  }
0x145: {  	s16 =	rddreg [dreg:$0xe];
	[tilespmem:s15+$0x18A58] =	vst v0;
	s15 =	simm.s32 $0x0  }
0x146: {  	[hbm4b:s16+s15] =	stream.linear.scatter [tilespmem:s5], [sflag:$0x6], $0x3200, $0x38;
	[tilespmem:$0x1EE28] =	vst v63  }
0x147: {  	_ =	swait.ge [sflag:s13], $0x3200  }
0x148: {  	[sflag:s13] =	ssyncset.done $0x0  }
0x149: {  	s17 =	rddreg [dreg:$0xf];
	[sflag:s13] =	ssyncadd.s32 $0xFFFFCE00  }
0x14a: {  	[tilespmem:s12], [sflag:$0x6] =	stream.linear.gather [hbm4b:s17+s15], $0x3200, $0x38;
	[tilespmem:$0x1EE28] =	vst v63  }
0x14b: {  	_ =	swait.ge [sflag:s13], $0x3200  }
0x14c: {  	[sflag:s13] =	ssyncset.done $0x0  }
0x14d: {  	[sflag:s13] =	ssyncadd.s32 $0xFFFFCE00  }
0x14e: {  	[tilespmem:s5], [sflag:$0x2] =	stream.indirect.gather [spmem:s2], $0x1, s12, s11, $0xb8;
	[tilespmem:$0x1EE28] =	vst v63  }
0x14f: {  	_ =	swait.ge [sflag:s7], $0x3200  }
0x150: {  	[sflag:s7] =	ssyncset.done $0x0  }
0x151: {  	s15 =	simm.s32 $0x0;
	[sflag:s7] =	ssyncadd.s32 $0xFFFFCE00  }
0x152: {  	v0 =	vld [tilespmem:s15+$0x15828]  }
0x153: {  	v1 =	vld [tilespmem:s15+$0x15838]  }
0x154: {  	s16 =	simm.s32 $0x100;
	v2 =	vld [tilespmem:s15+$0x15848]  }
.LBB2_10:
0x155: {  	p3 =	sne.s32 s16, $0xC700;
	v3 =	vld [tilespmem:s15+$0x15858];
	_ =	sdelay $0x1  }
0x156: {  	v0 =	vsub.f32 $0.0e+00, v0  }
0x157: {  	v1 =	vsub.f32 $0.0e+00, v1  }
0x158: {  	v0 =	vmul.f32 $1.442695020e+00, v0;
	v2 =	vsub.f32 $0.0e+00, v2  }
0x159: {  	v1 =	vmul.f32 $1.442695020e+00, v1;
	v3 =	vsub.f32 $0.0e+00, v3  }
0x15a: {  	v2 =	vmul.f32 $1.442695020e+00, v2;
	(erf) = vpow2.f32 v0  }
0x15b: {  	v0 =	vmul.f32 $1.442695020e+00, v3;
	(erf) = vpow2.f32 v1  }
0x15c: {  	(erf) = vpow2.f32 v2  }
0x15d: {  	(erf) = vpow2.f32 v0;
	_ =	sdelay $0x5  }
0x15e: {  	v0 =	vpop (erf)  }
0x15f: {  	v3 =	vadd.f32 $1.000000000e+00, v0;
	v1 =	vpop (erf)  }
0x160: {  	v1 =	vadd.f32 $1.000000000e+00, v1;
	v2 =	vpop (erf)  }
0x161: {  	v2 =	vadd.f32 $1.000000000e+00, v2;
	(erf) = vrcp.f32 v3;
	v0 =	vpop (erf)  }
0x162: {  	v0 =	vadd.f32 $1.000000000e+00, v0;
	(erf) = vrcp.f32 v1  }
0x163: {  	(erf) = vrcp.f32 v2  }
0x164: {  	(erf) = vrcp.f32 v0;
	_ =	sdelay $0x5  }
.Ltmp4:
0x165: {  	v0 =	vpop (erf);
	(pc) =	sbr.rel @p3 .LBB2_10-.Ltmp4, $4  }
0x166: {  	s17 =	sshra.s32 s16, $0x2;
	[tilespmem:s15+$0x15828] =	vst v0;
	v1 =	vpop (erf)  }
0x167: {  	v0 =	vld [tilespmem:s17+$0x15828];
	[tilespmem:s15+$0x15838] =	vst v1;
	v2 =	vpop (erf)  }
0x168: {  	v1 =	vld [tilespmem:s17+$0x15838];
	[tilespmem:s15+$0x15848] =	vst v2;
	v3 =	vpop (erf)  }
0x169: {  	s16 =	sadd.s32 $0x100, s16;
	v2 =	vld [tilespmem:s17+$0x15848];
	[tilespmem:s15+$0x15858] =	vst v3;
	s15 =	smov.u32 s17  }
0x16a: {  	_ =	sdelay $0x1  }
0x16b: {  	v3 =	vld [tilespmem:s15+$0x15858];
	v0 =	vsub.f32 $0.0e+00, v0;
	_ =	sdelay $0x1  }
0x16c: {  	v0 =	vmul.f32 $1.442695020e+00, v0  }
0x16d: {  	v1 =	vsub.f32 $0.0e+00, v1  }
0x16e: {  	v2 =	vsub.f32 $0.0e+00, v2;
	(erf) = vpow2.f32 v0  }
0x16f: {  	v1 =	vmul.f32 $1.442695020e+00, v1;
	v3 =	vsub.f32 $0.0e+00, v3  }
0x170: {  	v2 =	vmul.f32 $1.442695020e+00, v2  }
0x171: {  	v0 =	vmul.f32 $1.442695020e+00, v3;
	(erf) = vpow2.f32 v1  }
0x172: {  	(erf) = vpow2.f32 v2  }
0x173: {  	(erf) = vpow2.f32 v0;
	_ =	sdelay $0x3  }
0x174: {  	v0 =	vpop (erf)  }
0x175: {  	v0 =	vadd.f32 $1.000000000e+00, v0;
	_ =	sdelay $0x1  }
0x176: {  	v1 =	vpop (erf)  }
0x177: {  	v1 =	vadd.f32 $1.000000000e+00, v1;
	v2 =	vpop (erf)  }
0x178: {  	v2 =	vadd.f32 $1.000000000e+00, v2;
	(erf) = vrcp.f32 v0;
	v0 =	vpop (erf)  }
0x179: {  	(erf) = vrcp.f32 v1;
	v0 =	vadd.f32 $1.000000000e+00, v0  }
0x17a: {  	(erf) = vrcp.f32 v2  }
0x17b: {  	(erf) = vrcp.f32 v0;
	_ =	sdelay $0x5  }
0x17c: {  	v0 =	vpop (erf)  }
0x17d: {  	[tilespmem:s15+$0x15828] =	vst v0;
	v0 =	vpop (erf)  }
0x17e: {  	[tilespmem:s15+$0x15838] =	vst v0;
	v0 =	vpop (erf)  }
0x17f: {  	[tilespmem:s15+$0x15848] =	vst v0;
	v0 =	vpop (erf)  }
0x180: {  	s16 =	rddreg [dreg:$0x10];
	[tilespmem:s15+$0x15858] =	vst v0;
	s15 =	simm.s32 $0x0  }
0x181: {  	[hbm4b:s16+s15] =	stream.linear.scatter [tilespmem:s4], [sflag:$0x6], $0x3200, $0x38;
	[tilespmem:$0x1EE28] =	vst v63  }
0x182: {  	_ =	swait.ge [sflag:s13], $0x3200  }
0x183: {  	[sflag:s13] =	ssyncset.done $0x0  }
0x184: {  	s17 =	rddreg [dreg:$0x11];
	[sflag:s13] =	ssyncadd.s32 $0xFFFFCE00  }
0x185: {  	[tilespmem:s10], [sflag:$0x6] =	stream.linear.gather [hbm4b:s17+s15], $0x3200, $0x38;
	[tilespmem:$0x1EE28] =	vst v63  }
0x186: {  	_ =	swait.ge [sflag:s13], $0x3200  }
0x187: {  	[sflag:s13] =	ssyncset.done $0x0  }
0x188: {  	[sflag:s13] =	ssyncadd.s32 $0xFFFFCE00  }
0x189: {  	[tilespmem:s4], [sflag:$0x1] =	stream.indirect.gather [spmem:s2], $0x1, s10, s11, $0xb8;
	[tilespmem:$0x1EE28] =	vst v63  }
0x18a: {  	_ =	swait.ge [sflag:s9], $0x3200  }
0x18b: {  	[sflag:s9] =	ssyncset.done $0x0  }
0x18c: {  	s15 =	simm.s32 $0x0;
	[sflag:s9] =	ssyncadd.s32 $0xFFFFCE00  }
0x18d: {  	v0 =	vld [tilespmem:s15+$0x18A28]  }
0x18e: {  	v1 =	vld [tilespmem:s15+$0x18A38]  }
0x18f: {  	s16 =	simm.s32 $0x100;
	v2 =	vld [tilespmem:s15+$0x18A48]  }
.LBB2_12:
0x190: {  	p3 =	sne.s32 s16, $0xC700;
	v3 =	vld [tilespmem:s15+$0x18A58];
	_ =	sdelay $0x1  }
0x191: {  	v0 =	vsub.f32 $0.0e+00, v0  }
0x192: {  	v1 =	vsub.f32 $0.0e+00, v1  }
0x193: {  	v0 =	vmul.f32 $1.442695020e+00, v0;
	v2 =	vsub.f32 $0.0e+00, v2  }
0x194: {  	v1 =	vmul.f32 $1.442695020e+00, v1;
	v3 =	vsub.f32 $0.0e+00, v3  }
0x195: {  	v2 =	vmul.f32 $1.442695020e+00, v2;
	(erf) = vpow2.f32 v0  }
0x196: {  	v0 =	vmul.f32 $1.442695020e+00, v3;
	(erf) = vpow2.f32 v1  }
0x197: {  	(erf) = vpow2.f32 v2  }
0x198: {  	(erf) = vpow2.f32 v0;
	_ =	sdelay $0x5  }
0x199: {  	v0 =	vpop (erf)  }
0x19a: {  	v3 =	vadd.f32 $1.000000000e+00, v0;
	v1 =	vpop (erf)  }
0x19b: {  	v1 =	vadd.f32 $1.000000000e+00, v1;
	v2 =	vpop (erf)  }
0x19c: {  	v2 =	vadd.f32 $1.000000000e+00, v2;
	(erf) = vrcp.f32 v3;
	v0 =	vpop (erf)  }
0x19d: {  	v0 =	vadd.f32 $1.000000000e+00, v0;
	(erf) = vrcp.f32 v1  }
0x19e: {  	(erf) = vrcp.f32 v2  }
0x19f: {  	(erf) = vrcp.f32 v0;
	_ =	sdelay $0x5  }
.Ltmp5:
0x1a0: {  	v0 =	vpop (erf);
	(pc) =	sbr.rel @p3 .LBB2_12-.Ltmp5, $4  }
0x1a1: {  	s17 =	sshra.s32 s16, $0x2;
	[tilespmem:s15+$0x18A28] =	vst v0;
	v1 =	vpop (erf)  }
0x1a2: {  	v0 =	vld [tilespmem:s17+$0x18A28];
	[tilespmem:s15+$0x18A38] =	vst v1;
	v2 =	vpop (erf)  }
0x1a3: {  	v1 =	vld [tilespmem:s17+$0x18A38];
	[tilespmem:s15+$0x18A48] =	vst v2;
	v3 =	vpop (erf)  }
0x1a4: {  	s16 =	sadd.s32 $0x100, s16;
	v2 =	vld [tilespmem:s17+$0x18A48];
	[tilespmem:s15+$0x18A58] =	vst v3;
	s15 =	smov.u32 s17  }
0x1a5: {  	_ =	sdelay $0x1  }
0x1a6: {  	v3 =	vld [tilespmem:s15+$0x18A58];
	v0 =	vsub.f32 $0.0e+00, v0;
	_ =	sdelay $0x1  }
0x1a7: {  	v0 =	vmul.f32 $1.442695020e+00, v0  }
0x1a8: {  	v1 =	vsub.f32 $0.0e+00, v1  }
0x1a9: {  	v2 =	vsub.f32 $0.0e+00, v2;
	(erf) = vpow2.f32 v0  }
0x1aa: {  	v1 =	vmul.f32 $1.442695020e+00, v1;
	v3 =	vsub.f32 $0.0e+00, v3  }
0x1ab: {  	v2 =	vmul.f32 $1.442695020e+00, v2  }
0x1ac: {  	v0 =	vmul.f32 $1.442695020e+00, v3;
	(erf) = vpow2.f32 v1  }
0x1ad: {  	(erf) = vpow2.f32 v2  }
0x1ae: {  	(erf) = vpow2.f32 v0;
	_ =	sdelay $0x3  }
0x1af: {  	v0 =	vpop (erf)  }
0x1b0: {  	v0 =	vadd.f32 $1.000000000e+00, v0;
	_ =	sdelay $0x1  }
0x1b1: {  	v1 =	vpop (erf)  }
0x1b2: {  	v1 =	vadd.f32 $1.000000000e+00, v1;
	v2 =	vpop (erf)  }
0x1b3: {  	v2 =	vadd.f32 $1.000000000e+00, v2;
	(erf) = vrcp.f32 v0;
	v0 =	vpop (erf)  }
0x1b4: {  	(erf) = vrcp.f32 v1;
	v0 =	vadd.f32 $1.000000000e+00, v0  }
0x1b5: {  	(erf) = vrcp.f32 v2  }
0x1b6: {  	(erf) = vrcp.f32 v0;
	_ =	sdelay $0x5  }
0x1b7: {  	v0 =	vpop (erf)  }
0x1b8: {  	[tilespmem:s15+$0x18A28] =	vst v0;
	v0 =	vpop (erf)  }
0x1b9: {  	[tilespmem:s15+$0x18A38] =	vst v0;
	v0 =	vpop (erf)  }
0x1ba: {  	[tilespmem:s15+$0x18A48] =	vst v0;
	v0 =	vpop (erf)  }
0x1bb: {  	s17 =	simm.s32 $0x0;
	s16 =	rddreg [dreg:$0x12];
	[tilespmem:s15+$0x18A58] =	vst v0  }
0x1bc: {  	[hbm4b:s16+s17] =	stream.linear.scatter [tilespmem:s5], [sflag:$0x6], $0x3200, $0x38;
	[tilespmem:$0x1EE28] =	vst v63  }
0x1bd: {  	_ =	swait.ge [sflag:s13], $0x3200  }
0x1be: {  	[sflag:s13] =	ssyncset.done $0x0  }
0x1bf: {  	[sflag:s13] =	ssyncadd.s32 $0xFFFFCE00  }
0x1c0: {  	[tilespmem:s12], [sflag:$0x6] =	stream.linear.gather [hbm4b:s18+s17], $0x3200, $0x38;
	[tilespmem:$0x1EE28] =	vst v63  }
0x1c1: {  	_ =	swait.ge [sflag:s13], $0x3200  }
0x1c2: {  	[sflag:s13] =	ssyncset.done $0x0  }
0x1c3: {  	[sflag:s13] =	ssyncadd.s32 $0xFFFFCE00  }
0x1c4: {  	[tilespmem:s5], [sflag:$0x2] =	stream.indirect.gather [spmem:s2], $0x1, s12, s11, $0xb8;
	[tilespmem:$0x1EE28] =	vst v63  }
0x1c5: {  	_ =	swait.ge [sflag:s7], $0x3200  }
0x1c6: {  	[sflag:s7] =	ssyncset.done $0x0  }
0x1c7: {  	s15 =	simm.s32 $0x0;
	[sflag:s7] =	ssyncadd.s32 $0xFFFFCE00  }
0x1c8: {  	v0 =	vld [tilespmem:s15+$0x15828]  }
0x1c9: {  	v1 =	vld [tilespmem:s15+$0x15838]  }
0x1ca: {  	s16 =	simm.s32 $0x100;
	v2 =	vld [tilespmem:s15+$0x15848]  }
.LBB2_14:
0x1cb: {  	p3 =	sne.s32 s16, $0xC700;
	v3 =	vld [tilespmem:s15+$0x15858];
	_ =	sdelay $0x1  }
0x1cc: {  	v0 =	vsub.f32 $0.0e+00, v0  }
0x1cd: {  	v1 =	vsub.f32 $0.0e+00, v1  }
0x1ce: {  	v0 =	vmul.f32 $1.442695020e+00, v0;
	v2 =	vsub.f32 $0.0e+00, v2  }
0x1cf: {  	v1 =	vmul.f32 $1.442695020e+00, v1;
	v3 =	vsub.f32 $0.0e+00, v3  }
0x1d0: {  	v2 =	vmul.f32 $1.442695020e+00, v2;
	(erf) = vpow2.f32 v0  }
0x1d1: {  	v0 =	vmul.f32 $1.442695020e+00, v3;
	(erf) = vpow2.f32 v1  }
0x1d2: {  	(erf) = vpow2.f32 v2  }
0x1d3: {  	(erf) = vpow2.f32 v0;
	_ =	sdelay $0x5  }
0x1d4: {  	v0 =	vpop (erf)  }
0x1d5: {  	v3 =	vadd.f32 $1.000000000e+00, v0;
	v1 =	vpop (erf)  }
0x1d6: {  	v1 =	vadd.f32 $1.000000000e+00, v1;
	v2 =	vpop (erf)  }
0x1d7: {  	v2 =	vadd.f32 $1.000000000e+00, v2;
	(erf) = vrcp.f32 v3;
	v0 =	vpop (erf)  }
0x1d8: {  	v0 =	vadd.f32 $1.000000000e+00, v0;
	(erf) = vrcp.f32 v1  }
0x1d9: {  	(erf) = vrcp.f32 v2  }
0x1da: {  	(erf) = vrcp.f32 v0;
	_ =	sdelay $0x5  }
.Ltmp6:
0x1db: {  	v0 =	vpop (erf);
	(pc) =	sbr.rel @p3 .LBB2_14-.Ltmp6, $4  }
0x1dc: {  	s17 =	sshra.s32 s16, $0x2;
	[tilespmem:s15+$0x15828] =	vst v0;
	v1 =	vpop (erf)  }
0x1dd: {  	v0 =	vld [tilespmem:s17+$0x15828];
	[tilespmem:s15+$0x15838] =	vst v1;
	v2 =	vpop (erf)  }
0x1de: {  	v1 =	vld [tilespmem:s17+$0x15838];
	[tilespmem:s15+$0x15848] =	vst v2;
	v3 =	vpop (erf)  }
0x1df: {  	s16 =	sadd.s32 $0x100, s16;
	v2 =	vld [tilespmem:s17+$0x15848];
	[tilespmem:s15+$0x15858] =	vst v3;
	s15 =	smov.u32 s17  }
0x1e0: {  	_ =	sdelay $0x1  }
0x1e1: {  	v3 =	vld [tilespmem:s15+$0x15858];
	v0 =	vsub.f32 $0.0e+00, v0;
	_ =	sdelay $0x1  }
0x1e2: {  	v0 =	vmul.f32 $1.442695020e+00, v0  }
0x1e3: {  	v1 =	vsub.f32 $0.0e+00, v1  }
0x1e4: {  	v2 =	vsub.f32 $0.0e+00, v2;
	(erf) = vpow2.f32 v0  }
0x1e5: {  	v1 =	vmul.f32 $1.442695020e+00, v1;
	v3 =	vsub.f32 $0.0e+00, v3  }
0x1e6: {  	v2 =	vmul.f32 $1.442695020e+00, v2  }
0x1e7: {  	v0 =	vmul.f32 $1.442695020e+00, v3;
	(erf) = vpow2.f32 v1  }
0x1e8: {  	(erf) = vpow2.f32 v2  }
0x1e9: {  	(erf) = vpow2.f32 v0;
	_ =	sdelay $0x3  }
0x1ea: {  	v0 =	vpop (erf)  }
0x1eb: {  	v0 =	vadd.f32 $1.000000000e+00, v0;
	_ =	sdelay $0x1  }
0x1ec: {  	v1 =	vpop (erf)  }
0x1ed: {  	v1 =	vadd.f32 $1.000000000e+00, v1;
	v2 =	vpop (erf)  }
0x1ee: {  	v2 =	vadd.f32 $1.000000000e+00, v2;
	(erf) = vrcp.f32 v0;
	v0 =	vpop (erf)  }
0x1ef: {  	(erf) = vrcp.f32 v1;
	v0 =	vadd.f32 $1.000000000e+00, v0  }
0x1f0: {  	(erf) = vrcp.f32 v2  }
0x1f1: {  	(erf) = vrcp.f32 v0;
	_ =	sdelay $0x5  }
0x1f2: {  	v0 =	vpop (erf)  }
0x1f3: {  	[tilespmem:s15+$0x15828] =	vst v0;
	v0 =	vpop (erf)  }
0x1f4: {  	[tilespmem:s15+$0x15838] =	vst v0;
	v0 =	vpop (erf)  }
0x1f5: {  	[tilespmem:s15+$0x15848] =	vst v0;
	v0 =	vpop (erf)  }
0x1f6: {  	s17 =	simm.s32 $0x0;
	[tilespmem:s15+$0x15858] =	vst v0  }
0x1f7: {  	[hbm4b:s19+s17] =	stream.linear.scatter [tilespmem:s4], [sflag:$0x6], $0x3200, $0x38;
	[tilespmem:$0x1EE28] =	vst v63  }
0x1f8: {  	_ =	swait.ge [sflag:s13], $0x3200  }
0x1f9: {  	[sflag:s13] =	ssyncset.done $0x0  }
0x1fa: {  	[sflag:s13] =	ssyncadd.s32 $0xFFFFCE00  }
0x1fb: {  	_ =	swait.ge [sflag:s9], $0x3200  }
0x1fc: {  	[sflag:s9] =	ssyncset.done $0x0  }
0x1fd: {  	s15 =	simm.s32 $0x0;
	[sflag:s9] =	ssyncadd.s32 $0xFFFFCE00  }
0x1fe: {  	v0 =	vld [tilespmem:s15+$0x18A28]  }
0x1ff: {  	v1 =	vld [tilespmem:s15+$0x18A38]  }
0x200: {  	s16 =	simm.s32 $0x100;
	v2 =	vld [tilespmem:s15+$0x18A48]  }
.LBB2_16:
0x201: {  	p3 =	sne.s32 s16, $0xC700;
	v3 =	vld [tilespmem:s15+$0x18A58];
	_ =	sdelay $0x1  }
0x202: {  	v0 =	vsub.f32 $0.0e+00, v0  }
0x203: {  	v1 =	vsub.f32 $0.0e+00, v1  }
0x204: {  	v0 =	vmul.f32 $1.442695020e+00, v0;
	v2 =	vsub.f32 $0.0e+00, v2  }
0x205: {  	v1 =	vmul.f32 $1.442695020e+00, v1;
	v3 =	vsub.f32 $0.0e+00, v3  }
0x206: {  	v2 =	vmul.f32 $1.442695020e+00, v2;
	(erf) = vpow2.f32 v0  }
0x207: {  	v0 =	vmul.f32 $1.442695020e+00, v3;
	(erf) = vpow2.f32 v1  }
0x208: {  	(erf) = vpow2.f32 v2  }
0x209: {  	(erf) = vpow2.f32 v0;
	_ =	sdelay $0x5  }
0x20a: {  	v0 =	vpop (erf)  }
0x20b: {  	v3 =	vadd.f32 $1.000000000e+00, v0;
	v1 =	vpop (erf)  }
0x20c: {  	v1 =	vadd.f32 $1.000000000e+00, v1;
	v2 =	vpop (erf)  }
0x20d: {  	v2 =	vadd.f32 $1.000000000e+00, v2;
	(erf) = vrcp.f32 v3;
	v0 =	vpop (erf)  }
0x20e: {  	v0 =	vadd.f32 $1.000000000e+00, v0;
	(erf) = vrcp.f32 v1  }
0x20f: {  	(erf) = vrcp.f32 v2  }
0x210: {  	(erf) = vrcp.f32 v0;
	_ =	sdelay $0x5  }
.Ltmp7:
0x211: {  	v0 =	vpop (erf);
	(pc) =	sbr.rel @p3 .LBB2_16-.Ltmp7, $4  }
0x212: {  	s17 =	sshra.s32 s16, $0x2;
	[tilespmem:s15+$0x18A28] =	vst v0;
	v1 =	vpop (erf)  }
0x213: {  	v0 =	vld [tilespmem:s17+$0x18A28];
	[tilespmem:s15+$0x18A38] =	vst v1;
	v2 =	vpop (erf)  }
0x214: {  	v1 =	vld [tilespmem:s17+$0x18A38];
	[tilespmem:s15+$0x18A48] =	vst v2;
	v3 =	vpop (erf)  }
0x215: {  	s16 =	sadd.s32 $0x100, s16;
	v2 =	vld [tilespmem:s17+$0x18A48];
	[tilespmem:s15+$0x18A58] =	vst v3;
	s15 =	smov.u32 s17  }
0x216: {  	v3 =	vld [tilespmem:s15+$0x18A58];
	_ =	sdelay $0x1  }
0x217: {  	v0 =	vsub.f32 $0.0e+00, v0  }
0x218: {  	v1 =	vsub.f32 $0.0e+00, v1  }
0x219: {  	v0 =	vmul.f32 $1.442695020e+00, v0;
	v2 =	vsub.f32 $0.0e+00, v2  }
0x21a: {  	v1 =	vmul.f32 $1.442695020e+00, v1;
	v3 =	vsub.f32 $0.0e+00, v3  }
0x21b: {  	v2 =	vmul.f32 $1.442695020e+00, v2;
	(erf) = vpow2.f32 v0  }
0x21c: {  	v57 =	vmul.f32 $1.442695020e+00, v3;
	(erf) = vpow2.f32 v1  }
0x21d: {  	(erf) = vpow2.f32 v2  }
0x21e: {  	(erf) = vpow2.f32 v57;
	_ =	sdelay $0x5  }
0x21f: {  	v58 =	vpop (erf)  }
0x220: {  	v0 =	vadd.f32 $1.000000000e+00, v58;
	v1 =	vpop (erf)  }
0x221: {  	v1 =	vadd.f32 $1.000000000e+00, v1;
	v2 =	vpop (erf)  }
0x222: {  	v2 =	vadd.f32 $1.000000000e+00, v2;
	(erf) = vrcp.f32 v0;
	v59 =	vpop (erf)  }
0x223: {  	v0 =	vadd.f32 $1.000000000e+00, v59;
	(erf) = vrcp.f32 v1  }
0x224: {  	(erf) = vrcp.f32 v2  }
0x225: {  	(erf) = vrcp.f32 v0;
	_ =	sdelay $0x5  }
0x226: {  	v60 =	vpop (erf)  }
0x227: {  	[tilespmem:s15+$0x18A28] =	vst v60;
	v61 =	vpop (erf)  }
0x228: {  	s14 =	sadd.s32 $0x1, s14;
	[tilespmem:s15+$0x18A38] =	vst v61;
	v62 =	vpop (erf)  }
0x229: {  	p3 =	sne.s32 s14, s0;
	[tilespmem:s15+$0x18A48] =	vst v62;
	v63 =	vpop (erf)  }
.Ltmp8:
0x22a: {  	[tilespmem:s15+$0x18A58] =	vst v63;
	(pc) =	sbr.rel @p3 .LBB2_1-.Ltmp8, $4  }
0x22b: {  	[hbm4b:s20+s3] =	stream.linear.scatter [tilespmem:s5], [sflag:$0x6], $0x3200, $0x38;
	[tilespmem:$0x1EE28] =	vst v63  }
0x22c: {  	_ =	swait.ge [sflag:s13], $0x3200  }
0x22d: {  	[sflag:s13] =	ssyncset.done $0x0  }
0x22e: {  	[sflag:s13] =	ssyncadd.s32 $0xFFFFCE00  }
0x22f: {  	_ =	sfence.sel $0x180000  }
0x230: {  	[bflag:$0x0] =	sbarrier.arrive $0xFFFF  }
0x231: {  	_ =	strace $0x90000047  }
0x232: {  	s0 =	stileid.u32;
	[bflag:$0x2] =	sbarrier.arrive $0xFFFF  }
0x233: {  	p0 =	sne.s32 s0, $0x0;
	s0 =	rddreg [dreg:$0x4]  }
0x234: {  	s0 =	sadd.s32 @!p0 $0x100000, s0  }
0x235: {  	[sflag:s0] =	ssyncadd.tile.s32 @!p0 $0x1;
	_ =	shalt  }
.Lfunc_end2:
_tile_overlayer_lowered:
.L_overlay_start_2:
0x236: {  	(tag) =	ssettag $0x2  }
0x237: {  	s0 =	rddreg [dreg:$0x0];
	s2 =	stileid.u32  }
0x238: {  	s1 =	rddreg [dreg:$0x1];
	p0 =	sne.s32 s2, $0x0  }
0x239: {  	s3 =	rddreg [dreg:$0x2];
	[bflag:$0x3] =	sbarrier.arrive $0xFFFF;
	s2 =	simm.s32 @!p0 $0x1C06  }
0x23a: {  	[timem:s3], [sflag:s2] =	dma.local @!p0 [hbm:s0], s1  }
0x23b: {  	s0 =	simm.s32 @!p0 $0x6  }
0x23c: {  	_ =	swait.ge @!p0 [sflag:s0], s1  }
0x23d: {  	s1 =	ssub.s32 @!p0 $0x0, s1;
	[sflag:s0] =	ssyncset.done @!p0 $0x0  }
0x23e: {  	[sflag:s0] =	ssyncadd.s32 @!p0 s1  }
0x23f: {  	[bflag:$0x3] =	sbarrier.arrive $0xFFFF  }
0x240: {  	_ =	shalt  }

</sc_bundles>
